<compile_context>
chip_gen: v7x
topology: tpu7x:2x2x1
jax: 0.10.2.dev20260603
libtpu: 0.0.44.dev20260713+nightly
codegen_flags: <defaults>
</compile_context>

<pallas_src>
import functools

import jax
import jax.numpy as jnp
import numpy as np
from jax import lax
from jax.experimental import pallas as pl
from jax.experimental.pallas import tpu as pltpu
from jax.experimental.pallas import tpu_sc as plsc

_S = [3, 17, 31, 45, 60, 77, 92, 105, 120, 138, 151, 167, 180, 199, 214, 233]
_K = 16
_N = 16384
_D = 256

_N_SC = 10240
_NC = 2
_NS = 16
_NW = _NC * _NS
_RW = _N_SC // _NW
_CH = 160
_NBUF = 2
_NCHUNK = _RW // _CH
_NG = _CH // 16


@functools.partial(
    pl.kernel,
    out_type=jax.ShapeDtypeStruct((_N_SC,), jnp.float32),
    mesh=plsc.VectorSubcoreMesh(core_axis_name="c", subcore_axis_name="s"),
    compiler_params=pltpu.CompilerParams(
        needs_layout_passes=False,
        disable_bounds_checks=True,
    ),
    scratch_types=[
        pltpu.VMEM((_NBUF, _CH, _D), jnp.float32),
        pltpu.VMEM((_RW,), jnp.float32),
        pltpu.VMEM((_K,), jnp.float32),
        pltpu.VMEM((_K, _K), jnp.float32),
        pltpu.SemaphoreType.DMA,
        pltpu.SemaphoreType.DMA,
    ],
)
def _poly_sc(x_hbm, a_hbm, b_hbm, out_hbm, xbuf, obuf, a_v, b_v, sem0, sem1):
    wid = lax.axis_index("s") * _NC + lax.axis_index("c")
    base = wid * _RW

    pltpu.sync_copy(a_hbm, a_v)
    pltpu.sync_copy(b_hbm, b_v)

    sems = [sem0, sem1]
    cps = [None] * _NBUF
    for p in range(_NBUF - 1):
        cps[p] = pltpu.async_copy(
            x_hbm.at[pl.ds(base + p * _CH, _CH)], xbuf.at[p], sems[p])

    idx16 = [jnp.full((16,), v, jnp.int32) for v in range(_K)]
    idxS = [jnp.full((16,), s, jnp.int32) for s in _S]
    row_iota = lax.iota(jnp.int32, 16)

    a_vec = plsc.load_gather(a_v, [row_iota])
    aj = [a_vec.at[idx16[j]].get(mode="promise_in_bounds") for j in range(_K)]
    b_row0 = plsc.load_gather(b_v, [idx16[0], row_iota])
    b_row1 = plsc.load_gather(b_v, [idx16[1], row_iota])
    b01 = b_row0.at[idx16[1]].get(mode="promise_in_bounds")
    b02 = b_row0.at[idx16[2]].get(mode="promise_in_bounds")
    b12 = b_row1.at[idx16[2]].get(mode="promise_in_bounds")
    u0 = (b01 + b02 - b12) * 0.5
    uu = [u0] + [
        b_row0.at[idx16[i]].get(mode="promise_in_bounds") - u0
        for i in range(1, _K)
    ]

    for ch in range(_NCHUNK):
        slot = ch % _NBUF
        if ch + _NBUF - 1 < _NCHUNK:
            pslot = (ch + _NBUF - 1) % _NBUF
            cps[pslot] = pltpu.async_copy(
                x_hbm.at[pl.ds(base + (ch + _NBUF - 1) * _CH, _CH)],
                xbuf.at[pslot],
                sems[pslot],
            )
        cps[slot].wait()

        def group_body(g, carry, _slot=slot, _ch=ch):
            rows = row_iota + g * 16
            c = [
                plsc.load_gather(xbuf.at[_slot], [rows, idxS[i]])
                for i in range(_K)
            ]
            m = [uu[i] * c[i] for i in range(_K)]
            tot = c[0]
            w = m[0]
            s = m[0] * c[0]
            lin = aj[0] * c[0]
            for i in range(1, _K):
                tot = tot + c[i]
                w = w + m[i]
                s = s + m[i] * c[i]
                lin = lin + aj[i] * c[i]
            obuf[pl.ds(_ch * _CH + g * 16, 16)] = lin + w * tot - s
            return carry

        lax.fori_loop(0, _NG, group_body, 0)

    pltpu.sync_copy(obuf, out_hbm.at[pl.ds(base, _RW)])


_N_TC = _N - _N_SC
_BLK = 1024
_OFF_BLKS = _N_SC // _BLK


_P16 = np.zeros((_D, _K), np.float32)
for _j, _s in enumerate(_S):
    _P16[_s, _j] = 1.0
_P128 = np.zeros((_D, 128), np.float32)
_P128[:, :_K] = _P16


def _poly_tc_body(x_ref, p_ref, q_ref, a_ref, o_ref):
    xb = x_ref[...]
    d1 = jnp.dot(xb, p_ref[...], preferred_element_type=jnp.float32)
    d2 = jnp.dot(xb, q_ref[...], preferred_element_type=jnp.float32)
    o_ref[...] = jnp.sum(d1 * (d2 + a_ref[...]), axis=1)


_poly_tc = pl.pallas_call(
    _poly_tc_body,
    out_shape=jax.ShapeDtypeStruct((_N_TC,), jnp.float32),
    grid=(_N_TC // _BLK,),
    in_specs=[
        pl.BlockSpec((_BLK, _D), lambda i: (i + _OFF_BLKS, 0)),
        pl.BlockSpec((_D, 128), lambda i: (0, 0)),
        pl.BlockSpec((_D, 128), lambda i: (0, 0)),
        pl.BlockSpec((1, 128), lambda i: (0, 0)),
    ],
    out_specs=pl.BlockSpec((_BLK,), lambda i: (i,)),
)


def kernel(x, a, b):
    sc_out = _poly_sc(x, a, b)

    p_mat = jnp.asarray(_P128)
    q_mat = jnp.pad(jnp.asarray(_P16) @ jnp.triu(b, 1), ((0, 0), (0, 128 - _K)))
    a_pad = jnp.pad(a[None, :], ((0, 0), (0, 128 - _K)))
    tc_out = _poly_tc(x, p_mat, q_mat, a_pad)

    return jnp.concatenate([sc_out, tc_out])

# --- scband reference (transcript-rebuilt; emitter-appended) ---
"""Pipeline reference for scband-sparse-poly-teacher-39015482917256 (READ-ONLY COPY).

The authoritative reference and input builder live on the scoring server;
editing this copy changes nothing except your own understanding.
"""

import jax, jax.numpy as jnp
import numpy as np

S_LIST = [3, 17, 31, 45, 60, 77, 92, 105, 120, 138, 151, 167, 180, 199, 214, 233]
A_LIST = [0.1, -0.2, 0.3, -0.4, 0.5, -0.6, 0.7, -0.8, 0.9, -1.0, 1.1, -1.2, 1.3, -1.4, 1.5, -1.6]
K = 16


def setup_inputs(seed: int = 0) -> dict:
    key = jax.random.key(seed)
    x = jax.random.uniform(key, (16384, 256), dtype=jnp.float32)
    a = jnp.array(A_LIST, dtype=jnp.float32)
    b = jnp.array([[(i + j + 1) / 100.0 for j in range(K)] for i in range(K)], dtype=jnp.float32)
    return {"x": x, "a": a, "b": b}


def reference(x, a, b):
    # Faithful translation of sparse_poly_f: gather the sparse support
    # columns, apply linear term, then accumulate upper-triangular
    # pairwise quadratic terms.
    S = jnp.array(S_LIST, dtype=jnp.int32)
    xS = jnp.take(x, S, axis=1)  # [B, k] gather
    lin = (xS * a[None, :]).sum(axis=1)
    k = K
    quad = jnp.zeros(x.shape[0], dtype=x.dtype)
    for i in range(k):
        for j in range(i + 1, k):
            quad = quad + b[i, j] * xS[:, i] * xS[:, j]
    return lin + quad

if __name__ == "__main__":
    import jax
    _d = setup_inputs()
    print(jax.jit(kernel)(*tuple(_d.values())))

</pallas_src>

<mosaic_0001>
#map = affine_map<(d0, d1) -> (0, 0)>
#map1 = affine_map<(d0, d1) -> (0)>
module attributes {stable_mosaic.version = 14 : i64} {
  func.func @_poly_sc(%arg0: i32, %arg1: i32, %arg2: memref<16384x256xf32, #tpu.memory_space<hbm>>, %arg3: memref<16xf32, #tpu.memory_space<hbm>>, %arg4: memref<16x16xf32, #tpu.memory_space<hbm>>, %arg5: memref<10240xf32, #tpu.memory_space<hbm>>, %arg6: memref<2x160x256xf32, #tpu.memory_space<vmem>>, %arg7: memref<320xf32, #tpu.memory_space<vmem>>, %arg8: memref<16xf32, #tpu.memory_space<vmem>>, %arg9: memref<16x16xf32, #tpu.memory_space<vmem>>, %arg10: memref<!tpu.dma_semaphore, #tpu.memory_space<semaphore_mem>>, %arg11: memref<!tpu.dma_semaphore, #tpu.memory_space<semaphore_mem>>) attributes {dimension_semantics = [#tpu.dimension_semantics<core_parallel>, #tpu.dimension_semantics<subcore_parallel>], iteration_bounds = array<i64: 2, 16>, scalar_prefetch = 0 : i64, scratch_operands = 6 : i64, tpu.core_type = #tpu.core_type<sc_vector_subcore>, window_params = [{transform_indices = #map}, {transform_indices = #map1}, {transform_indices = #map}, {transform_indices = #map1}]} {
    %mul3A = arith.constant 2 : i32
    %mul3A_0 = arith.muli %arg1, %mul3A : i32
    %add3A = arith.addi %mul3A_0, %arg0 : i32
    %mul3A_1 = arith.constant 320 : i32
    %mul3A_2 = arith.muli %add3A, %mul3A_1 : i32
    "tpu.region"() ({
      %run_scoped3A = tpu.sem_alloc : memref<!tpu.dma_semaphore, #tpu.memory_space<semaphore_mem>>
      tpu.enqueue_dma source(%arg3 : memref<16xf32, #tpu.memory_space<hbm>>) target(%arg8 : memref<16xf32, #tpu.memory_space<vmem>>) target_semaphore(%run_scoped3A : memref<!tpu.dma_semaphore, #tpu.memory_space<semaphore_mem>>)
      tpu.wait_dma2 semaphore(%run_scoped3A : memref<!tpu.dma_semaphore, #tpu.memory_space<semaphore_mem>>) src(%arg3 : memref<16xf32, #tpu.memory_space<hbm>>) dst(%arg8 : memref<16xf32, #tpu.memory_space<vmem>>)
      tpu.yield
    }) : () -> ()
    "tpu.region"() ({
      %run_scoped3A = tpu.sem_alloc : memref<!tpu.dma_semaphore, #tpu.memory_space<semaphore_mem>>
      tpu.enqueue_dma source(%arg4 : memref<16x16xf32, #tpu.memory_space<hbm>>) target(%arg9 : memref<16x16xf32, #tpu.memory_space<vmem>>) target_semaphore(%run_scoped3A : memref<!tpu.dma_semaphore, #tpu.memory_space<semaphore_mem>>)
      tpu.wait_dma2 semaphore(%run_scoped3A : memref<!tpu.dma_semaphore, #tpu.memory_space<semaphore_mem>>) src(%arg4 : memref<16x16xf32, #tpu.memory_space<hbm>>) dst(%arg9 : memref<16x16xf32, #tpu.memory_space<vmem>>)
      tpu.yield
    }) : () -> ()
    %add3A_3 = arith.constant 0 : i32
    %add3A_4 = arith.addi %mul3A_2, %add3A_3 : i32
    %dma_start3A = arith.constant 0 : i32
    %dma_start3A_5 = arith.constant 0 : i32
    %dma_start3A_6 = arith.constant 0 : i32
    %dma_start3A_7 = tpu.memref_slice %arg6[%dma_start3A, %dma_start3A_5, %dma_start3A_6] : memref<2x160x256xf32, #tpu.memory_space<vmem>> -> memref<1x160x256xf32, #tpu.memory_space<vmem>>
    %dma_start3A_8 = tpu.memref_squeeze %dma_start3A_7 : memref<1x160x256xf32, #tpu.memory_space<vmem>> -> memref<160x256xf32, #tpu.memory_space<vmem>>
    %dma_start3A_9 = arith.constant 0 : i32
    %dma_start3A_10 = tpu.memref_slice %arg2[%add3A_4, %dma_start3A_9] : memref<16384x256xf32, #tpu.memory_space<hbm>> -> memref<160x256xf32, #tpu.memory_space<hbm>>
    %dma_start3A_11 = arith.constant 0 : i32
    %dma_start3A_12 = arith.constant 0 : i32
    %dma_start3A_13 = tpu.memref_slice %arg6[%dma_start3A, %dma_start3A_11, %dma_start3A_12] : memref<2x160x256xf32, #tpu.memory_space<vmem>> -> memref<1x160x256xf32, #tpu.memory_space<vmem>>
    %dma_start3A_14 = tpu.memref_squeeze %dma_start3A_13 : memref<1x160x256xf32, #tpu.memory_space<vmem>> -> memref<160x256xf32, #tpu.memory_space<vmem>>
    %dma_start3A_15 = arith.constant 0 : i32
    %dma_start3A_16 = tpu.memref_slice %arg2[%add3A_4, %dma_start3A_15] : memref<16384x256xf32, #tpu.memory_space<hbm>> -> memref<160x256xf32, #tpu.memory_space<hbm>>
    tpu.enqueue_dma source(%dma_start3A_16 : memref<160x256xf32, #tpu.memory_space<hbm>>) target(%dma_start3A_14 : memref<160x256xf32, #tpu.memory_space<vmem>>) target_semaphore(%arg10 : memref<!tpu.dma_semaphore, #tpu.memory_space<semaphore_mem>>)
    %broadcast_in_dim3A = arith.constant 0 : i32
    %broadcast_in_dim3A_17 = vector.broadcast %broadcast_in_dim3A : i32 to vector<16xi32>
    %broadcast_in_dim3A_18 = arith.constant 1 : i32
    %broadcast_in_dim3A_19 = vector.broadcast %broadcast_in_dim3A_18 : i32 to vector<16xi32>
    %broadcast_in_dim3A_20 = arith.constant 2 : i32
    %broadcast_in_dim3A_21 = vector.broadcast %broadcast_in_dim3A_20 : i32 to vector<16xi32>
    %broadcast_in_dim3A_22 = arith.constant 3 : i32
    %broadcast_in_dim3A_23 = vector.broadcast %broadcast_in_dim3A_22 : i32 to vector<16xi32>
    %broadcast_in_dim3A_24 = arith.constant 4 : i32
    %broadcast_in_dim3A_25 = vector.broadcast %broadcast_in_dim3A_24 : i32 to vector<16xi32>
    %broadcast_in_dim3A_26 = arith.constant 5 : i32
    %broadcast_in_dim3A_27 = vector.broadcast %broadcast_in_dim3A_26 : i32 to vector<16xi32>
    %broadcast_in_dim3A_28 = arith.constant 6 : i32
    %broadcast_in_dim3A_29 = vector.broadcast %broadcast_in_dim3A_28 : i32 to vector<16xi32>
    %broadcast_in_dim3A_30 = arith.constant 7 : i32
    %broadcast_in_dim3A_31 = vector.broadcast %broadcast_in_dim3A_30 : i32 to vector<16xi32>
    %broadcast_in_dim3A_32 = arith.constant 8 : i32
    %broadcast_in_dim3A_33 = vector.broadcast %broadcast_in_dim3A_32 : i32 to vector<16xi32>
    %broadcast_in_dim3A_34 = arith.constant 9 : i32
    %broadcast_in_dim3A_35 = vector.broadcast %broadcast_in_dim3A_34 : i32 to vector<16xi32>
    %broadcast_in_dim3A_36 = arith.constant 10 : i32
    %broadcast_in_dim3A_37 = vector.broadcast %broadcast_in_dim3A_36 : i32 to vector<16xi32>
    %broadcast_in_dim3A_38 = arith.constant 11 : i32
    %broadcast_in_dim3A_39 = vector.broadcast %broadcast_in_dim3A_38 : i32 to vector<16xi32>
    %broadcast_in_dim3A_40 = arith.constant 12 : i32
    %broadcast_in_dim3A_41 = vector.broadcast %broadcast_in_dim3A_40 : i32 to vector<16xi32>
    %broadcast_in_dim3A_42 = arith.constant 13 : i32
    %broadcast_in_dim3A_43 = vector.broadcast %broadcast_in_dim3A_42 : i32 to vector<16xi32>
    %broadcast_in_dim3A_44 = arith.constant 14 : i32
    %broadcast_in_dim3A_45 = vector.broadcast %broadcast_in_dim3A_44 : i32 to vector<16xi32>
    %broadcast_in_dim3A_46 = arith.constant 15 : i32
    %broadcast_in_dim3A_47 = vector.broadcast %broadcast_in_dim3A_46 : i32 to vector<16xi32>
    %broadcast_in_dim3A_48 = arith.constant 3 : i32
    %broadcast_in_dim3A_49 = vector.broadcast %broadcast_in_dim3A_48 : i32 to vector<16xi32>
    %broadcast_in_dim3A_50 = arith.constant 17 : i32
    %broadcast_in_dim3A_51 = vector.broadcast %broadcast_in_dim3A_50 : i32 to vector<16xi32>
    %broadcast_in_dim3A_52 = arith.constant 31 : i32
    %broadcast_in_dim3A_53 = vector.broadcast %broadcast_in_dim3A_52 : i32 to vector<16xi32>
    %broadcast_in_dim3A_54 = arith.constant 45 : i32
    %broadcast_in_dim3A_55 = vector.broadcast %broadcast_in_dim3A_54 : i32 to vector<16xi32>
    %broadcast_in_dim3A_56 = arith.constant 60 : i32
    %broadcast_in_dim3A_57 = vector.broadcast %broadcast_in_dim3A_56 : i32 to vector<16xi32>
    %broadcast_in_dim3A_58 = arith.constant 77 : i32
    %broadcast_in_dim3A_59 = vector.broadcast %broadcast_in_dim3A_58 : i32 to vector<16xi32>
    %broadcast_in_dim3A_60 = arith.constant 92 : i32
    %broadcast_in_dim3A_61 = vector.broadcast %broadcast_in_dim3A_60 : i32 to vector<16xi32>
    %broadcast_in_dim3A_62 = arith.constant 105 : i32
    %broadcast_in_dim3A_63 = vector.broadcast %broadcast_in_dim3A_62 : i32 to vector<16xi32>
    %broadcast_in_dim3A_64 = arith.constant 120 : i32
    %broadcast_in_dim3A_65 = vector.broadcast %broadcast_in_dim3A_64 : i32 to vector<16xi32>
    %broadcast_in_dim3A_66 = arith.constant 138 : i32
    %broadcast_in_dim3A_67 = vector.broadcast %broadcast_in_dim3A_66 : i32 to vector<16xi32>
    %broadcast_in_dim3A_68 = arith.constant 151 : i32
    %broadcast_in_dim3A_69 = vector.broadcast %broadcast_in_dim3A_68 : i32 to vector<16xi32>
    %broadcast_in_dim3A_70 = arith.constant 167 : i32
    %broadcast_in_dim3A_71 = vector.broadcast %broadcast_in_dim3A_70 : i32 to vector<16xi32>
    %broadcast_in_dim3A_72 = arith.constant 180 : i32
    %broadcast_in_dim3A_73 = vector.broadcast %broadcast_in_dim3A_72 : i32 to vector<16xi32>
    %broadcast_in_dim3A_74 = arith.constant 199 : i32
    %broadcast_in_dim3A_75 = vector.broadcast %broadcast_in_dim3A_74 : i32 to vector<16xi32>
    %broadcast_in_dim3A_76 = arith.constant 214 : i32
    %broadcast_in_dim3A_77 = vector.broadcast %broadcast_in_dim3A_76 : i32 to vector<16xi32>
    %broadcast_in_dim3A_78 = arith.constant 233 : i32
    %broadcast_in_dim3A_79 = vector.broadcast %broadcast_in_dim3A_78 : i32 to vector<16xi32>
    %iota3A = tpu.iota {dimensions = array<i32: 0>} : vector<16xi32>
    %gather3A = tpu.vector_load_idx %arg8[%iota3A] : memref<16xf32, #tpu.memory_space<vmem>>[vector<16xi32>], vector<16xf32>,
    %lt3A = arith.constant 0 : i32
    %lt3A_80 = vector.broadcast %lt3A : i32 to vector<16xi32>
    %lt3A_81 = arith.cmpi slt, %broadcast_in_dim3A_17, %lt3A_80 : vector<16xi32>
    %add3A_82 = arith.constant 16 : i32
    %add3A_83 = vector.broadcast %add3A_82 : i32 to vector<16xi32>
    %add3A_84 = arith.addi %broadcast_in_dim3A_17, %add3A_83 : vector<16xi32>
    %select_n3A = arith.select %lt3A_81, %add3A_84, %broadcast_in_dim3A_17 : vector<16xi1>, vector<16xi32>
    %broadcast_in_dim3A_85 = vector.shape_cast %select_n3A : vector<16xi32> to vector<16x1xi32>
    %gather3A_86 = vector.shape_cast %broadcast_in_dim3A_85 : vector<16x1xi32> to vector<16xi32>
    %gather3A_87 = tpu.dynamic_gather %gather3A[%gather3A_86] in [0] : vector<16xf32>, vector<16xi32> -> vector<16xf32>
    %lt3A_88 = arith.constant 0 : i32
    %lt3A_89 = vector.broadcast %lt3A_88 : i32 to vector<16xi32>
    %lt3A_90 = arith.cmpi slt, %broadcast_in_dim3A_19, %lt3A_89 : vector<16xi32>
    %add3A_91 = arith.constant 16 : i32
    %add3A_92 = vector.broadcast %add3A_91 : i32 to vector<16xi32>
    %add3A_93 = arith.addi %broadcast_in_dim3A_19, %add3A_92 : vector<16xi32>
    %select_n3A_94 = arith.select %lt3A_90, %add3A_93, %broadcast_in_dim3A_19 : vector<16xi1>, vector<16xi32>
    %broadcast_in_dim3A_95 = vector.shape_cast %select_n3A_94 : vector<16xi32> to vector<16x1xi32>
    %gather3A_96 = vector.shape_cast %broadcast_in_dim3A_95 : vector<16x1xi32> to vector<16xi32>
    %gather3A_97 = tpu.dynamic_gather %gather3A[%gather3A_96] in [0] : vector<16xf32>, vector<16xi32> -> vector<16xf32>
    %lt3A_98 = arith.constant 0 : i32
    %lt3A_99 = vector.broadcast %lt3A_98 : i32 to vector<16xi32>
    %lt3A_100 = arith.cmpi slt, %broadcast_in_dim3A_21, %lt3A_99 : vector<16xi32>
    %add3A_101 = arith.constant 16 : i32
    %add3A_102 = vector.broadcast %add3A_101 : i32 to vector<16xi32>
    %add3A_103 = arith.addi %broadcast_in_dim3A_21, %add3A_102 : vector<16xi32>
    %select_n3A_104 = arith.select %lt3A_100, %add3A_103, %broadcast_in_dim3A_21 : vector<16xi1>, vector<16xi32>
    %broadcast_in_dim3A_105 = vector.shape_cast %select_n3A_104 : vector<16xi32> to vector<16x1xi32>
    %gather3A_106 = vector.shape_cast %broadcast_in_dim3A_105 : vector<16x1xi32> to vector<16xi32>
    %gather3A_107 = tpu.dynamic_gather %gather3A[%gather3A_106] in [0] : vector<16xf32>, vector<16xi32> -> vector<16xf32>
    %lt3A_108 = arith.constant 0 : i32
    %lt3A_109 = vector.broadcast %lt3A_108 : i32 to vector<16xi32>
    %lt3A_110 = arith.cmpi slt, %broadcast_in_dim3A_23, %lt3A_109 : vector<16xi32>
    %add3A_111 = arith.constant 16 : i32
    %add3A_112 = vector.broadcast %add3A_111 : i32 to vector<16xi32>
    %add3A_113 = arith.addi %broadcast_in_dim3A_23, %add3A_112 : vector<16xi32>
    %select_n3A_114 = arith.select %lt3A_110, %add3A_113, %broadcast_in_dim3A_23 : vector<16xi1>, vector<16xi32>
    %broadcast_in_dim3A_115 = vector.shape_cast %select_n3A_114 : vector<16xi32> to vector<16x1xi32>
    %gather3A_116 = vector.shape_cast %broadcast_in_dim3A_115 : vector<16x1xi32> to vector<16xi32>
    %gather3A_117 = tpu.dynamic_gather %gather3A[%gather3A_116] in [0] : vector<16xf32>, vector<16xi32> -> vector<16xf32>
    %lt3A_118 = arith.constant 0 : i32
    %lt3A_119 = vector.broadcast %lt3A_118 : i32 to vector<16xi32>
    %lt3A_120 = arith.cmpi slt, %broadcast_in_dim3A_25, %lt3A_119 : vector<16xi32>
    %add3A_121 = arith.constant 16 : i32
    %add3A_122 = vector.broadcast %add3A_121 : i32 to vector<16xi32>
    %add3A_123 = arith.addi %broadcast_in_dim3A_25, %add3A_122 : vector<16xi32>
    %select_n3A_124 = arith.select %lt3A_120, %add3A_123, %broadcast_in_dim3A_25 : vector<16xi1>, vector<16xi32>
    %broadcast_in_dim3A_125 = vector.shape_cast %select_n3A_124 : vector<16xi32> to vector<16x1xi32>
    %gather3A_126 = vector.shape_cast %broadcast_in_dim3A_125 : vector<16x1xi32> to vector<16xi32>
    %gather3A_127 = tpu.dynamic_gather %gather3A[%gather3A_126] in [0] : vector<16xf32>, vector<16xi32> -> vector<16xf32>
    %lt3A_128 = arith.constant 0 : i32
    %lt3A_129 = vector.broadcast %lt3A_128 : i32 to vector<16xi32>
    %lt3A_130 = arith.cmpi slt, %broadcast_in_dim3A_27, %lt3A_129 : vector<16xi32>
    %add3A_131 = arith.constant 16 : i32
    %add3A_132 = vector.broadcast %add3A_131 : i32 to vector<16xi32>
    %add3A_133 = arith.addi %broadcast_in_dim3A_27, %add3A_132 : vector<16xi32>
    %select_n3A_134 = arith.select %lt3A_130, %add3A_133, %broadcast_in_dim3A_27 : vector<16xi1>, vector<16xi32>
    %broadcast_in_dim3A_135 = vector.shape_cast %select_n3A_134 : vector<16xi32> to vector<16x1xi32>
    %gather3A_136 = vector.shape_cast %broadcast_in_dim3A_135 : vector<16x1xi32> to vector<16xi32>
    %gather3A_137 = tpu.dynamic_gather %gather3A[%gather3A_136] in [0] : vector<16xf32>, vector<16xi32> -> vector<16xf32>
    %lt3A_138 = arith.constant 0 : i32
    %lt3A_139 = vector.broadcast %lt3A_138 : i32 to vector<16xi32>
    %lt3A_140 = arith.cmpi slt, %broadcast_in_dim3A_29, %lt3A_139 : vector<16xi32>
    %add3A_141 = arith.constant 16 : i32
    %add3A_142 = vector.broadcast %add3A_141 : i32 to vector<16xi32>
    %add3A_143 = arith.addi %broadcast_in_dim3A_29, %add3A_142 : vector<16xi32>
    %select_n3A_144 = arith.select %lt3A_140, %add3A_143, %broadcast_in_dim3A_29 : vector<16xi1>, vector<16xi32>
    %broadcast_in_dim3A_145 = vector.shape_cast %select_n3A_144 : vector<16xi32> to vector<16x1xi32>
    %gather3A_146 = vector.shape_cast %broadcast_in_dim3A_145 : vector<16x1xi32> to vector<16xi32>
    %gather3A_147 = tpu.dynamic_gather %gather3A[%gather3A_146] in [0] : vector<16xf32>, vector<16xi32> -> vector<16xf32>
    %lt3A_148 = arith.constant 0 : i32
    %lt3A_149 = vector.broadcast %lt3A_148 : i32 to vector<16xi32>
    %lt3A_150 = arith.cmpi slt, %broadcast_in_dim3A_31, %lt3A_149 : vector<16xi32>
    %add3A_151 = arith.constant 16 : i32
    %add3A_152 = vector.broadcast %add3A_151 : i32 to vector<16xi32>
    %add3A_153 = arith.addi %broadcast_in_dim3A_31, %add3A_152 : vector<16xi32>
    %select_n3A_154 = arith.select %lt3A_150, %add3A_153, %broadcast_in_dim3A_31 : vector<16xi1>, vector<16xi32>
    %broadcast_in_dim3A_155 = vector.shape_cast %select_n3A_154 : vector<16xi32> to vector<16x1xi32>
    %gather3A_156 = vector.shape_cast %broadcast_in_dim3A_155 : vector<16x1xi32> to vector<16xi32>
    %gather3A_157 = tpu.dynamic_gather %gather3A[%gather3A_156] in [0] : vector<16xf32>, vector<16xi32> -> vector<16xf32>
    %lt3A_158 = arith.constant 0 : i32
    %lt3A_159 = vector.broadcast %lt3A_158 : i32 to vector<16xi32>
    %lt3A_160 = arith.cmpi slt, %broadcast_in_dim3A_33, %lt3A_159 : vector<16xi32>
    %add3A_161 = arith.constant 16 : i32
    %add3A_162 = vector.broadcast %add3A_161 : i32 to vector<16xi32>
    %add3A_163 = arith.addi %broadcast_in_dim3A_33, %add3A_162 : vector<16xi32>
    %select_n3A_164 = arith.select %lt3A_160, %add3A_163, %broadcast_in_dim3A_33 : vector<16xi1>, vector<16xi32>
    %broadcast_in_dim3A_165 = vector.shape_cast %select_n3A_164 : vector<16xi32> to vector<16x1xi32>
    %gather3A_166 = vector.shape_cast %broadcast_in_dim3A_165 : vector<16x1xi32> to vector<16xi32>
    %gather3A_167 = tpu.dynamic_gather %gather3A[%gather3A_166] in [0] : vector<16xf32>, vector<16xi32> -> vector<16xf32>
    %lt3A_168 = arith.constant 0 : i32
    %lt3A_169 = vector.broadcast %lt3A_168 : i32 to vector<16xi32>
    %lt3A_170 = arith.cmpi slt, %broadcast_in_dim3A_35, %lt3A_169 : vector<16xi32>
    %add3A_171 = arith.constant 16 : i32
    %add3A_172 = vector.broadcast %add3A_171 : i32 to vector<16xi32>
    %add3A_173 = arith.addi %broadcast_in_dim3A_35, %add3A_172 : vector<16xi32>
    %select_n3A_174 = arith.select %lt3A_170, %add3A_173, %broadcast_in_dim3A_35 : vector<16xi1>, vector<16xi32>
    %broadcast_in_dim3A_175 = vector.shape_cast %select_n3A_174 : vector<16xi32> to vector<16x1xi32>
    %gather3A_176 = vector.shape_cast %broadcast_in_dim3A_175 : vector<16x1xi32> to vector<16xi32>
    %gather3A_177 = tpu.dynamic_gather %gather3A[%gather3A_176] in [0] : vector<16xf32>, vector<16xi32> -> vector<16xf32>
    %lt3A_178 = arith.constant 0 : i32
    %lt3A_179 = vector.broadcast %lt3A_178 : i32 to vector<16xi32>
    %lt3A_180 = arith.cmpi slt, %broadcast_in_dim3A_37, %lt3A_179 : vector<16xi32>
    %add3A_181 = arith.constant 16 : i32
    %add3A_182 = vector.broadcast %add3A_181 : i32 to vector<16xi32>
    %add3A_183 = arith.addi %broadcast_in_dim3A_37, %add3A_182 : vector<16xi32>
    %select_n3A_184 = arith.select %lt3A_180, %add3A_183, %broadcast_in_dim3A_37 : vector<16xi1>, vector<16xi32>
    %broadcast_in_dim3A_185 = vector.shape_cast %select_n3A_184 : vector<16xi32> to vector<16x1xi32>
    %gather3A_186 = vector.shape_cast %broadcast_in_dim3A_185 : vector<16x1xi32> to vector<16xi32>
    %gather3A_187 = tpu.dynamic_gather %gather3A[%gather3A_186] in [0] : vector<16xf32>, vector<16xi32> -> vector<16xf32>
    %lt3A_188 = arith.constant 0 : i32
    %lt3A_189 = vector.broadcast %lt3A_188 : i32 to vector<16xi32>
    %lt3A_190 = arith.cmpi slt, %broadcast_in_dim3A_39, %lt3A_189 : vector<16xi32>
    %add3A_191 = arith.constant 16 : i32
    %add3A_192 = vector.broadcast %add3A_191 : i32 to vector<16xi32>
    %add3A_193 = arith.addi %broadcast_in_dim3A_39, %add3A_192 : vector<16xi32>
    %select_n3A_194 = arith.select %lt3A_190, %add3A_193, %broadcast_in_dim3A_39 : vector<16xi1>, vector<16xi32>
    %broadcast_in_dim3A_195 = vector.shape_cast %select_n3A_194 : vector<16xi32> to vector<16x1xi32>
    %gather3A_196 = vector.shape_cast %broadcast_in_dim3A_195 : vector<16x1xi32> to vector<16xi32>
    %gather3A_197 = tpu.dynamic_gather %gather3A[%gather3A_196] in [0] : vector<16xf32>, vector<16xi32> -> vector<16xf32>
    %lt3A_198 = arith.constant 0 : i32
    %lt3A_199 = vector.broadcast %lt3A_198 : i32 to vector<16xi32>
    %lt3A_200 = arith.cmpi slt, %broadcast_in_dim3A_41, %lt3A_199 : vector<16xi32>
    %add3A_201 = arith.constant 16 : i32
    %add3A_202 = vector.broadcast %add3A_201 : i32 to vector<16xi32>
    %add3A_203 = arith.addi %broadcast_in_dim3A_41, %add3A_202 : vector<16xi32>
    %select_n3A_204 = arith.select %lt3A_200, %add3A_203, %broadcast_in_dim3A_41 : vector<16xi1>, vector<16xi32>
    %broadcast_in_dim3A_205 = vector.shape_cast %select_n3A_204 : vector<16xi32> to vector<16x1xi32>
    %gather3A_206 = vector.shape_cast %broadcast_in_dim3A_205 : vector<16x1xi32> to vector<16xi32>
    %gather3A_207 = tpu.dynamic_gather %gather3A[%gather3A_206] in [0] : vector<16xf32>, vector<16xi32> -> vector<16xf32>
    %lt3A_208 = arith.constant 0 : i32
    %lt3A_209 = vector.broadcast %lt3A_208 : i32 to vector<16xi32>
    %lt3A_210 = arith.cmpi slt, %broadcast_in_dim3A_43, %lt3A_209 : vector<16xi32>
    %add3A_211 = arith.constant 16 : i32
    %add3A_212 = vector.broadcast %add3A_211 : i32 to vector<16xi32>
    %add3A_213 = arith.addi %broadcast_in_dim3A_43, %add3A_212 : vector<16xi32>
    %select_n3A_214 = arith.select %lt3A_210, %add3A_213, %broadcast_in_dim3A_43 : vector<16xi1>, vector<16xi32>
    %broadcast_in_dim3A_215 = vector.shape_cast %select_n3A_214 : vector<16xi32> to vector<16x1xi32>
    %gather3A_216 = vector.shape_cast %broadcast_in_dim3A_215 : vector<16x1xi32> to vector<16xi32>
    %gather3A_217 = tpu.dynamic_gather %gather3A[%gather3A_216] in [0] : vector<16xf32>, vector<16xi32> -> vector<16xf32>
    %lt3A_218 = arith.constant 0 : i32
    %lt3A_219 = vector.broadcast %lt3A_218 : i32 to vector<16xi32>
    %lt3A_220 = arith.cmpi slt, %broadcast_in_dim3A_45, %lt3A_219 : vector<16xi32>
    %add3A_221 = arith.constant 16 : i32
    %add3A_222 = vector.broadcast %add3A_221 : i32 to vector<16xi32>
    %add3A_223 = arith.addi %broadcast_in_dim3A_45, %add3A_222 : vector<16xi32>
    %select_n3A_224 = arith.select %lt3A_220, %add3A_223, %broadcast_in_dim3A_45 : vector<16xi1>, vector<16xi32>
    %broadcast_in_dim3A_225 = vector.shape_cast %select_n3A_224 : vector<16xi32> to vector<16x1xi32>
    %gather3A_226 = vector.shape_cast %broadcast_in_dim3A_225 : vector<16x1xi32> to vector<16xi32>
    %gather3A_227 = tpu.dynamic_gather %gather3A[%gather3A_226] in [0] : vector<16xf32>, vector<16xi32> -> vector<16xf32>
    %lt3A_228 = arith.constant 0 : i32
    %lt3A_229 = vector.broadcast %lt3A_228 : i32 to vector<16xi32>
    %lt3A_230 = arith.cmpi slt, %broadcast_in_dim3A_47, %lt3A_229 : vector<16xi32>
    %add3A_231 = arith.constant 16 : i32
    %add3A_232 = vector.broadcast %add3A_231 : i32 to vector<16xi32>
    %add3A_233 = arith.addi %broadcast_in_dim3A_47, %add3A_232 : vector<16xi32>
    %select_n3A_234 = arith.select %lt3A_230, %add3A_233, %broadcast_in_dim3A_47 : vector<16xi1>, vector<16xi32>
    %broadcast_in_dim3A_235 = vector.shape_cast %select_n3A_234 : vector<16xi32> to vector<16x1xi32>
    %gather3A_236 = vector.shape_cast %broadcast_in_dim3A_235 : vector<16x1xi32> to vector<16xi32>
    %gather3A_237 = tpu.dynamic_gather %gather3A[%gather3A_236] in [0] : vector<16xf32>, vector<16xi32> -> vector<16xf32>
    %gather3A_238 = tpu.vector_load_idx %arg9[%broadcast_in_dim3A_17, %iota3A] : memref<16x16xf32, #tpu.memory_space<vmem>>[vector<16xi32>, vector<16xi32>], vector<16xf32>,
    %gather3A_239 = tpu.vector_load_idx %arg9[%broadcast_in_dim3A_19, %iota3A] : memref<16x16xf32, #tpu.memory_space<vmem>>[vector<16xi32>, vector<16xi32>], vector<16xf32>,
    %lt3A_240 = arith.constant 0 : i32
    %lt3A_241 = vector.broadcast %lt3A_240 : i32 to vector<16xi32>
    %lt3A_242 = arith.cmpi slt, %broadcast_in_dim3A_19, %lt3A_241 : vector<16xi32>
    %add3A_243 = arith.constant 16 : i32
    %add3A_244 = vector.broadcast %add3A_243 : i32 to vector<16xi32>
    %add3A_245 = arith.addi %broadcast_in_dim3A_19, %add3A_244 : vector<16xi32>
    %select_n3A_246 = arith.select %lt3A_242, %add3A_245, %broadcast_in_dim3A_19 : vector<16xi1>, vector<16xi32>
    %broadcast_in_dim3A_247 = vector.shape_cast %select_n3A_246 : vector<16xi32> to vector<16x1xi32>
    %gather3A_248 = vector.shape_cast %broadcast_in_dim3A_247 : vector<16x1xi32> to vector<16xi32>
    %gather3A_249 = tpu.dynamic_gather %gather3A_238[%gather3A_248] in [0] : vector<16xf32>, vector<16xi32> -> vector<16xf32>
    %lt3A_250 = arith.constant 0 : i32
    %lt3A_251 = vector.broadcast %lt3A_250 : i32 to vector<16xi32>
    %lt3A_252 = arith.cmpi slt, %broadcast_in_dim3A_21, %lt3A_251 : vector<16xi32>
    %add3A_253 = arith.constant 16 : i32
    %add3A_254 = vector.broadcast %add3A_253 : i32 to vector<16xi32>
    %add3A_255 = arith.addi %broadcast_in_dim3A_21, %add3A_254 : vector<16xi32>
    %select_n3A_256 = arith.select %lt3A_252, %add3A_255, %broadcast_in_dim3A_21 : vector<16xi1>, vector<16xi32>
    %broadcast_in_dim3A_257 = vector.shape_cast %select_n3A_256 : vector<16xi32> to vector<16x1xi32>
    %gather3A_258 = vector.shape_cast %broadcast_in_dim3A_257 : vector<16x1xi32> to vector<16xi32>
    %gather3A_259 = tpu.dynamic_gather %gather3A_238[%gather3A_258] in [0] : vector<16xf32>, vector<16xi32> -> vector<16xf32>
    %lt3A_260 = arith.constant 0 : i32
    %lt3A_261 = vector.broadcast %lt3A_260 : i32 to vector<16xi32>
    %lt3A_262 = arith.cmpi slt, %broadcast_in_dim3A_21, %lt3A_261 : vector<16xi32>
    %add3A_263 = arith.constant 16 : i32
    %add3A_264 = vector.broadcast %add3A_263 : i32 to vector<16xi32>
    %add3A_265 = arith.addi %broadcast_in_dim3A_21, %add3A_264 : vector<16xi32>
    %select_n3A_266 = arith.select %lt3A_262, %add3A_265, %broadcast_in_dim3A_21 : vector<16xi1>, vector<16xi32>
    %broadcast_in_dim3A_267 = vector.shape_cast %select_n3A_266 : vector<16xi32> to vector<16x1xi32>
    %gather3A_268 = vector.shape_cast %broadcast_in_dim3A_267 : vector<16x1xi32> to vector<16xi32>
    %gather3A_269 = tpu.dynamic_gather %gather3A_239[%gather3A_268] in [0] : vector<16xf32>, vector<16xi32> -> vector<16xf32>
    %add3A_270 = arith.addf %gather3A_249, %gather3A_259 : vector<16xf32>
    %sub3A = arith.subf %add3A_270, %gather3A_269 : vector<16xf32>
    %mul3A_271 = arith.constant 5.000000e-01 : f32
    %mul3A_272 = vector.broadcast %mul3A_271 : f32 to vector<16xf32>
    %mul3A_273 = arith.mulf %sub3A, %mul3A_272 : vector<16xf32>
    %lt3A_274 = arith.constant 0 : i32
    %lt3A_275 = vector.broadcast %lt3A_274 : i32 to vector<16xi32>
    %lt3A_276 = arith.cmpi slt, %broadcast_in_dim3A_19, %lt3A_275 : vector<16xi32>
    %add3A_277 = arith.constant 16 : i32
    %add3A_278 = vector.broadcast %add3A_277 : i32 to vector<16xi32>
    %add3A_279 = arith.addi %broadcast_in_dim3A_19, %add3A_278 : vector<16xi32>
    %select_n3A_280 = arith.select %lt3A_276, %add3A_279, %broadcast_in_dim3A_19 : vector<16xi1>, vector<16xi32>
    %broadcast_in_dim3A_281 = vector.shape_cast %select_n3A_280 : vector<16xi32> to vector<16x1xi32>
    %gather3A_282 = vector.shape_cast %broadcast_in_dim3A_281 : vector<16x1xi32> to vector<16xi32>
    %gather3A_283 = tpu.dynamic_gather %gather3A_238[%gather3A_282] in [0] : vector<16xf32>, vector<16xi32> -> vector<16xf32>
    %sub3A_284 = arith.subf %gather3A_283, %mul3A_273 : vector<16xf32>
    %lt3A_285 = arith.constant 0 : i32
    %lt3A_286 = vector.broadcast %lt3A_285 : i32 to vector<16xi32>
    %lt3A_287 = arith.cmpi slt, %broadcast_in_dim3A_21, %lt3A_286 : vector<16xi32>
    %add3A_288 = arith.constant 16 : i32
    %add3A_289 = vector.broadcast %add3A_288 : i32 to vector<16xi32>
    %add3A_290 = arith.addi %broadcast_in_dim3A_21, %add3A_289 : vector<16xi32>
    %select_n3A_291 = arith.select %lt3A_287, %add3A_290, %broadcast_in_dim3A_21 : vector<16xi1>, vector<16xi32>
    %broadcast_in_dim3A_292 = vector.shape_cast %select_n3A_291 : vector<16xi32> to vector<16x1xi32>
    %gather3A_293 = vector.shape_cast %broadcast_in_dim3A_292 : vector<16x1xi32> to vector<16xi32>
    %gather3A_294 = tpu.dynamic_gather %gather3A_238[%gather3A_293] in [0] : vector<16xf32>, vector<16xi32> -> vector<16xf32>
    %sub3A_295 = arith.subf %gather3A_294, %mul3A_273 : vector<16xf32>
    %lt3A_296 = arith.constant 0 : i32
    %lt3A_297 = vector.broadcast %lt3A_296 : i32 to vector<16xi32>
    %lt3A_298 = arith.cmpi slt, %broadcast_in_dim3A_23, %lt3A_297 : vector<16xi32>
    %add3A_299 = arith.constant 16 : i32
    %add3A_300 = vector.broadcast %add3A_299 : i32 to vector<16xi32>
    %add3A_301 = arith.addi %broadcast_in_dim3A_23, %add3A_300 : vector<16xi32>
    %select_n3A_302 = arith.select %lt3A_298, %add3A_301, %broadcast_in_dim3A_23 : vector<16xi1>, vector<16xi32>
    %broadcast_in_dim3A_303 = vector.shape_cast %select_n3A_302 : vector<16xi32> to vector<16x1xi32>
    %gather3A_304 = vector.shape_cast %broadcast_in_dim3A_303 : vector<16x1xi32> to vector<16xi32>
    %gather3A_305 = tpu.dynamic_gather %gather3A_238[%gather3A_304] in [0] : vector<16xf32>, vector<16xi32> -> vector<16xf32>
    %sub3A_306 = arith.subf %gather3A_305, %mul3A_273 : vector<16xf32>
    %lt3A_307 = arith.constant 0 : i32
    %lt3A_308 = vector.broadcast %lt3A_307 : i32 to vector<16xi32>
    %lt3A_309 = arith.cmpi slt, %broadcast_in_dim3A_25, %lt3A_308 : vector<16xi32>
    %add3A_310 = arith.constant 16 : i32
    %add3A_311 = vector.broadcast %add3A_310 : i32 to vector<16xi32>
    %add3A_312 = arith.addi %broadcast_in_dim3A_25, %add3A_311 : vector<16xi32>
    %select_n3A_313 = arith.select %lt3A_309, %add3A_312, %broadcast_in_dim3A_25 : vector<16xi1>, vector<16xi32>
    %broadcast_in_dim3A_314 = vector.shape_cast %select_n3A_313 : vector<16xi32> to vector<16x1xi32>
    %gather3A_315 = vector.shape_cast %broadcast_in_dim3A_314 : vector<16x1xi32> to vector<16xi32>
    %gather3A_316 = tpu.dynamic_gather %gather3A_238[%gather3A_315] in [0] : vector<16xf32>, vector<16xi32> -> vector<16xf32>
    %sub3A_317 = arith.subf %gather3A_316, %mul3A_273 : vector<16xf32>
    %lt3A_318 = arith.constant 0 : i32
    %lt3A_319 = vector.broadcast %lt3A_318 : i32 to vector<16xi32>
    %lt3A_320 = arith.cmpi slt, %broadcast_in_dim3A_27, %lt3A_319 : vector<16xi32>
    %add3A_321 = arith.constant 16 : i32
    %add3A_322 = vector.broadcast %add3A_321 : i32 to vector<16xi32>
    %add3A_323 = arith.addi %broadcast_in_dim3A_27, %add3A_322 : vector<16xi32>
    %select_n3A_324 = arith.select %lt3A_320, %add3A_323, %broadcast_in_dim3A_27 : vector<16xi1>, vector<16xi32>
    %broadcast_in_dim3A_325 = vector.shape_cast %select_n3A_324 : vector<16xi32> to vector<16x1xi32>
    %gather3A_326 = vector.shape_cast %broadcast_in_dim3A_325 : vector<16x1xi32> to vector<16xi32>
    %gather3A_327 = tpu.dynamic_gather %gather3A_238[%gather3A_326] in [0] : vector<16xf32>, vector<16xi32> -> vector<16xf32>
    %sub3A_328 = arith.subf %gather3A_327, %mul3A_273 : vector<16xf32>
    %lt3A_329 = arith.constant 0 : i32
    %lt3A_330 = vector.broadcast %lt3A_329 : i32 to vector<16xi32>
    %lt3A_331 = arith.cmpi slt, %broadcast_in_dim3A_29, %lt3A_330 : vector<16xi32>
    %add3A_332 = arith.constant 16 : i32
    %add3A_333 = vector.broadcast %add3A_332 : i32 to vector<16xi32>
    %add3A_334 = arith.addi %broadcast_in_dim3A_29, %add3A_333 : vector<16xi32>
    %select_n3A_335 = arith.select %lt3A_331, %add3A_334, %broadcast_in_dim3A_29 : vector<16xi1>, vector<16xi32>
    %broadcast_in_dim3A_336 = vector.shape_cast %select_n3A_335 : vector<16xi32> to vector<16x1xi32>
    %gather3A_337 = vector.shape_cast %broadcast_in_dim3A_336 : vector<16x1xi32> to vector<16xi32>
    %gather3A_338 = tpu.dynamic_gather %gather3A_238[%gather3A_337] in [0] : vector<16xf32>, vector<16xi32> -> vector<16xf32>
    %sub3A_339 = arith.subf %gather3A_338, %mul3A_273 : vector<16xf32>
    %lt3A_340 = arith.constant 0 : i32
    %lt3A_341 = vector.broadcast %lt3A_340 : i32 to vector<16xi32>
    %lt3A_342 = arith.cmpi slt, %broadcast_in_dim3A_31, %lt3A_341 : vector<16xi32>
    %add3A_343 = arith.constant 16 : i32
    %add3A_344 = vector.broadcast %add3A_343 : i32 to vector<16xi32>
    %add3A_345 = arith.addi %broadcast_in_dim3A_31, %add3A_344 : vector<16xi32>
    %select_n3A_346 = arith.select %lt3A_342, %add3A_345, %broadcast_in_dim3A_31 : vector<16xi1>, vector<16xi32>
    %broadcast_in_dim3A_347 = vector.shape_cast %select_n3A_346 : vector<16xi32> to vector<16x1xi32>
    %gather3A_348 = vector.shape_cast %broadcast_in_dim3A_347 : vector<16x1xi32> to vector<16xi32>
    %gather3A_349 = tpu.dynamic_gather %gather3A_238[%gather3A_348] in [0] : vector<16xf32>, vector<16xi32> -> vector<16xf32>
    %sub3A_350 = arith.subf %gather3A_349, %mul3A_273 : vector<16xf32>
    %lt3A_351 = arith.constant 0 : i32
    %lt3A_352 = vector.broadcast %lt3A_351 : i32 to vector<16xi32>
    %lt3A_353 = arith.cmpi slt, %broadcast_in_dim3A_33, %lt3A_352 : vector<16xi32>
    %add3A_354 = arith.constant 16 : i32
    %add3A_355 = vector.broadcast %add3A_354 : i32 to vector<16xi32>
    %add3A_356 = arith.addi %broadcast_in_dim3A_33, %add3A_355 : vector<16xi32>
    %select_n3A_357 = arith.select %lt3A_353, %add3A_356, %broadcast_in_dim3A_33 : vector<16xi1>, vector<16xi32>
    %broadcast_in_dim3A_358 = vector.shape_cast %select_n3A_357 : vector<16xi32> to vector<16x1xi32>
    %gather3A_359 = vector.shape_cast %broadcast_in_dim3A_358 : vector<16x1xi32> to vector<16xi32>
    %gather3A_360 = tpu.dynamic_gather %gather3A_238[%gather3A_359] in [0] : vector<16xf32>, vector<16xi32> -> vector<16xf32>
    %sub3A_361 = arith.subf %gather3A_360, %mul3A_273 : vector<16xf32>
    %lt3A_362 = arith.constant 0 : i32
    %lt3A_363 = vector.broadcast %lt3A_362 : i32 to vector<16xi32>
    %lt3A_364 = arith.cmpi slt, %broadcast_in_dim3A_35, %lt3A_363 : vector<16xi32>
    %add3A_365 = arith.constant 16 : i32
    %add3A_366 = vector.broadcast %add3A_365 : i32 to vector<16xi32>
    %add3A_367 = arith.addi %broadcast_in_dim3A_35, %add3A_366 : vector<16xi32>
    %select_n3A_368 = arith.select %lt3A_364, %add3A_367, %broadcast_in_dim3A_35 : vector<16xi1>, vector<16xi32>
    %broadcast_in_dim3A_369 = vector.shape_cast %select_n3A_368 : vector<16xi32> to vector<16x1xi32>
    %gather3A_370 = vector.shape_cast %broadcast_in_dim3A_369 : vector<16x1xi32> to vector<16xi32>
    %gather3A_371 = tpu.dynamic_gather %gather3A_238[%gather3A_370] in [0] : vector<16xf32>, vector<16xi32> -> vector<16xf32>
    %sub3A_372 = arith.subf %gather3A_371, %mul3A_273 : vector<16xf32>
    %lt3A_373 = arith.constant 0 : i32
    %lt3A_374 = vector.broadcast %lt3A_373 : i32 to vector<16xi32>
    %lt3A_375 = arith.cmpi slt, %broadcast_in_dim3A_37, %lt3A_374 : vector<16xi32>
    %add3A_376 = arith.constant 16 : i32
    %add3A_377 = vector.broadcast %add3A_376 : i32 to vector<16xi32>
    %add3A_378 = arith.addi %broadcast_in_dim3A_37, %add3A_377 : vector<16xi32>
    %select_n3A_379 = arith.select %lt3A_375, %add3A_378, %broadcast_in_dim3A_37 : vector<16xi1>, vector<16xi32>
    %broadcast_in_dim3A_380 = vector.shape_cast %select_n3A_379 : vector<16xi32> to vector<16x1xi32>
    %gather3A_381 = vector.shape_cast %broadcast_in_dim3A_380 : vector<16x1xi32> to vector<16xi32>
    %gather3A_382 = tpu.dynamic_gather %gather3A_238[%gather3A_381] in [0] : vector<16xf32>, vector<16xi32> -> vector<16xf32>
    %sub3A_383 = arith.subf %gather3A_382, %mul3A_273 : vector<16xf32>
    %lt3A_384 = arith.constant 0 : i32
    %lt3A_385 = vector.broadcast %lt3A_384 : i32 to vector<16xi32>
    %lt3A_386 = arith.cmpi slt, %broadcast_in_dim3A_39, %lt3A_385 : vector<16xi32>
    %add3A_387 = arith.constant 16 : i32
    %add3A_388 = vector.broadcast %add3A_387 : i32 to vector<16xi32>
    %add3A_389 = arith.addi %broadcast_in_dim3A_39, %add3A_388 : vector<16xi32>
    %select_n3A_390 = arith.select %lt3A_386, %add3A_389, %broadcast_in_dim3A_39 : vector<16xi1>, vector<16xi32>
    %broadcast_in_dim3A_391 = vector.shape_cast %select_n3A_390 : vector<16xi32> to vector<16x1xi32>
    %gather3A_392 = vector.shape_cast %broadcast_in_dim3A_391 : vector<16x1xi32> to vector<16xi32>
    %gather3A_393 = tpu.dynamic_gather %gather3A_238[%gather3A_392] in [0] : vector<16xf32>, vector<16xi32> -> vector<16xf32>
    %sub3A_394 = arith.subf %gather3A_393, %mul3A_273 : vector<16xf32>
    %lt3A_395 = arith.constant 0 : i32
    %lt3A_396 = vector.broadcast %lt3A_395 : i32 to vector<16xi32>
    %lt3A_397 = arith.cmpi slt, %broadcast_in_dim3A_41, %lt3A_396 : vector<16xi32>
    %add3A_398 = arith.constant 16 : i32
    %add3A_399 = vector.broadcast %add3A_398 : i32 to vector<16xi32>
    %add3A_400 = arith.addi %broadcast_in_dim3A_41, %add3A_399 : vector<16xi32>
    %select_n3A_401 = arith.select %lt3A_397, %add3A_400, %broadcast_in_dim3A_41 : vector<16xi1>, vector<16xi32>
    %broadcast_in_dim3A_402 = vector.shape_cast %select_n3A_401 : vector<16xi32> to vector<16x1xi32>
    %gather3A_403 = vector.shape_cast %broadcast_in_dim3A_402 : vector<16x1xi32> to vector<16xi32>
    %gather3A_404 = tpu.dynamic_gather %gather3A_238[%gather3A_403] in [0] : vector<16xf32>, vector<16xi32> -> vector<16xf32>
    %sub3A_405 = arith.subf %gather3A_404, %mul3A_273 : vector<16xf32>
    %lt3A_406 = arith.constant 0 : i32
    %lt3A_407 = vector.broadcast %lt3A_406 : i32 to vector<16xi32>
    %lt3A_408 = arith.cmpi slt, %broadcast_in_dim3A_43, %lt3A_407 : vector<16xi32>
    %add3A_409 = arith.constant 16 : i32
    %add3A_410 = vector.broadcast %add3A_409 : i32 to vector<16xi32>
    %add3A_411 = arith.addi %broadcast_in_dim3A_43, %add3A_410 : vector<16xi32>
    %select_n3A_412 = arith.select %lt3A_408, %add3A_411, %broadcast_in_dim3A_43 : vector<16xi1>, vector<16xi32>
    %broadcast_in_dim3A_413 = vector.shape_cast %select_n3A_412 : vector<16xi32> to vector<16x1xi32>
    %gather3A_414 = vector.shape_cast %broadcast_in_dim3A_413 : vector<16x1xi32> to vector<16xi32>
    %gather3A_415 = tpu.dynamic_gather %gather3A_238[%gather3A_414] in [0] : vector<16xf32>, vector<16xi32> -> vector<16xf32>
    %sub3A_416 = arith.subf %gather3A_415, %mul3A_273 : vector<16xf32>
    %lt3A_417 = arith.constant 0 : i32
    %lt3A_418 = vector.broadcast %lt3A_417 : i32 to vector<16xi32>
    %lt3A_419 = arith.cmpi slt, %broadcast_in_dim3A_45, %lt3A_418 : vector<16xi32>
    %add3A_420 = arith.constant 16 : i32
    %add3A_421 = vector.broadcast %add3A_420 : i32 to vector<16xi32>
    %add3A_422 = arith.addi %broadcast_in_dim3A_45, %add3A_421 : vector<16xi32>
    %select_n3A_423 = arith.select %lt3A_419, %add3A_422, %broadcast_in_dim3A_45 : vector<16xi1>, vector<16xi32>
    %broadcast_in_dim3A_424 = vector.shape_cast %select_n3A_423 : vector<16xi32> to vector<16x1xi32>
    %gather3A_425 = vector.shape_cast %broadcast_in_dim3A_424 : vector<16x1xi32> to vector<16xi32>
    %gather3A_426 = tpu.dynamic_gather %gather3A_238[%gather3A_425] in [0] : vector<16xf32>, vector<16xi32> -> vector<16xf32>
    %sub3A_427 = arith.subf %gather3A_426, %mul3A_273 : vector<16xf32>
    %lt3A_428 = arith.constant 0 : i32
    %lt3A_429 = vector.broadcast %lt3A_428 : i32 to vector<16xi32>
    %lt3A_430 = arith.cmpi slt, %broadcast_in_dim3A_47, %lt3A_429 : vector<16xi32>
    %add3A_431 = arith.constant 16 : i32
    %add3A_432 = vector.broadcast %add3A_431 : i32 to vector<16xi32>
    %add3A_433 = arith.addi %broadcast_in_dim3A_47, %add3A_432 : vector<16xi32>
    %select_n3A_434 = arith.select %lt3A_430, %add3A_433, %broadcast_in_dim3A_47 : vector<16xi1>, vector<16xi32>
    %broadcast_in_dim3A_435 = vector.shape_cast %select_n3A_434 : vector<16xi32> to vector<16x1xi32>
    %gather3A_436 = vector.shape_cast %broadcast_in_dim3A_435 : vector<16x1xi32> to vector<16xi32>
    %gather3A_437 = tpu.dynamic_gather %gather3A_238[%gather3A_436] in [0] : vector<16xf32>, vector<16xi32> -> vector<16xf32>
    %sub3A_438 = arith.subf %gather3A_437, %mul3A_273 : vector<16xf32>
    %add3A_439 = arith.constant 160 : i32
    %add3A_440 = arith.addi %mul3A_2, %add3A_439 : i32
    %dma_start3A_441 = arith.constant 1 : i32
    %dma_start3A_442 = arith.constant 0 : i32
    %dma_start3A_443 = arith.constant 0 : i32
    %dma_start3A_444 = tpu.memref_slice %arg6[%dma_start3A_441, %dma_start3A_442, %dma_start3A_443] : memref<2x160x256xf32, #tpu.memory_space<vmem>> -> memref<1x160x256xf32, #tpu.memory_space<vmem>>
    %dma_start3A_445 = tpu.memref_squeeze %dma_start3A_444 : memref<1x160x256xf32, #tpu.memory_space<vmem>> -> memref<160x256xf32, #tpu.memory_space<vmem>>
    %dma_start3A_446 = arith.constant 0 : i32
    %dma_start3A_447 = tpu.memref_slice %arg2[%add3A_440, %dma_start3A_446] : memref<16384x256xf32, #tpu.memory_space<hbm>> -> memref<160x256xf32, #tpu.memory_space<hbm>>
    %dma_start3A_448 = arith.constant 0 : i32
    %dma_start3A_449 = arith.constant 0 : i32
    %dma_start3A_450 = tpu.memref_slice %arg6[%dma_start3A_441, %dma_start3A_448, %dma_start3A_449] : memref<2x160x256xf32, #tpu.memory_space<vmem>> -> memref<1x160x256xf32, #tpu.memory_space<vmem>>
    %dma_start3A_451 = tpu.memref_squeeze %dma_start3A_450 : memref<1x160x256xf32, #tpu.memory_space<vmem>> -> memref<160x256xf32, #tpu.memory_space<vmem>>
    %dma_start3A_452 = arith.constant 0 : i32
    %dma_start3A_453 = tpu.memref_slice %arg2[%add3A_440, %dma_start3A_452] : memref<16384x256xf32, #tpu.memory_space<hbm>> -> memref<160x256xf32, #tpu.memory_space<hbm>>
    tpu.enqueue_dma source(%dma_start3A_453 : memref<160x256xf32, #tpu.memory_space<hbm>>) target(%dma_start3A_451 : memref<160x256xf32, #tpu.memory_space<vmem>>) target_semaphore(%arg11 : memref<!tpu.dma_semaphore, #tpu.memory_space<semaphore_mem>>)
    %dma_wait3A = arith.constant 0 : i32
    %dma_wait3A_454 = arith.constant 0 : i32
    %dma_wait3A_455 = arith.constant 0 : i32
    %dma_wait3A_456 = tpu.memref_slice %arg6[%dma_wait3A, %dma_wait3A_454, %dma_wait3A_455] : memref<2x160x256xf32, #tpu.memory_space<vmem>> -> memref<1x160x256xf32, #tpu.memory_space<vmem>>
    %dma_wait3A_457 = tpu.memref_squeeze %dma_wait3A_456 : memref<1x160x256xf32, #tpu.memory_space<vmem>> -> memref<160x256xf32, #tpu.memory_space<vmem>>
    %dma_wait3A_458 = arith.constant 0 : i32
    %dma_wait3A_459 = tpu.memref_slice %arg2[%add3A_4, %dma_wait3A_458] : memref<16384x256xf32, #tpu.memory_space<hbm>> -> memref<160x256xf32, #tpu.memory_space<hbm>>
    %dma_wait3A_460 = arith.constant 0 : i32
    %dma_wait3A_461 = arith.constant 0 : i32
    %dma_wait3A_462 = tpu.memref_slice %arg6[%dma_wait3A, %dma_wait3A_460, %dma_wait3A_461] : memref<2x160x256xf32, #tpu.memory_space<vmem>> -> memref<1x160x256xf32, #tpu.memory_space<vmem>>
    %dma_wait3A_463 = tpu.memref_squeeze %dma_wait3A_462 : memref<1x160x256xf32, #tpu.memory_space<vmem>> -> memref<160x256xf32, #tpu.memory_space<vmem>>
    %dma_wait3A_464 = arith.constant 0 : i32
    %dma_wait3A_465 = tpu.memref_slice %arg2[%add3A_4, %dma_wait3A_464] : memref<16384x256xf32, #tpu.memory_space<hbm>> -> memref<160x256xf32, #tpu.memory_space<hbm>>
    tpu.wait_dma2 semaphore(%arg10 : memref<!tpu.dma_semaphore, #tpu.memory_space<semaphore_mem>>) src(%dma_wait3A_465 : memref<160x256xf32, #tpu.memory_space<hbm>>) dst(%dma_wait3A_463 : memref<160x256xf32, #tpu.memory_space<vmem>>)
    %scan3A = arith.constant 0 : i32
    %scan3A_466 = arith.constant 0 : i32
    %scan3A_467 = arith.constant 10 : i32
    %scan3A_468 = arith.addi %scan3A_466, %scan3A_467 : i32
    %scan3A_469 = arith.constant 1 : i32
    scf.for %scan3A_490 = %scan3A_466 to %scan3A_468 step %scan3A_469  : i32 {
      %mul3A_491 = arith.constant 16 : i32
      %mul3A_492 = arith.muli %scan3A_490, %mul3A_491 : i32
      %add3A_493 = vector.broadcast %mul3A_492 : i32 to vector<16xi32>
      %add3A_494 = arith.addi %iota3A, %add3A_493 : vector<16xi32>
      %gather3A_495 = arith.constant 0 : i32
      %gather3A_496 = arith.constant 0 : i32
      %gather3A_497 = arith.constant 0 : i32
      %gather3A_498 = tpu.memref_slice %arg6[%gather3A_495, %gather3A_496, %gather3A_497] : memref<2x160x256xf32, #tpu.memory_space<vmem>> -> memref<1x160x256xf32, #tpu.memory_space<vmem>>
      %gather3A_499 = tpu.memref_squeeze %gather3A_498 : memref<1x160x256xf32, #tpu.memory_space<vmem>> -> memref<160x256xf32, #tpu.memory_space<vmem>>
      %gather3A_500 = tpu.vector_load_idx %gather3A_499[%add3A_494, %broadcast_in_dim3A_49] : memref<160x256xf32, #tpu.memory_space<vmem>>[vector<16xi32>, vector<16xi32>], vector<16xf32>,
      %gather3A_501 = arith.constant 0 : i32
      %gather3A_502 = arith.constant 0 : i32
      %gather3A_503 = arith.constant 0 : i32
      %gather3A_504 = tpu.memref_slice %arg6[%gather3A_501, %gather3A_502, %gather3A_503] : memref<2x160x256xf32, #tpu.memory_space<vmem>> -> memref<1x160x256xf32, #tpu.memory_space<vmem>>
      %gather3A_505 = tpu.memref_squeeze %gather3A_504 : memref<1x160x256xf32, #tpu.memory_space<vmem>> -> memref<160x256xf32, #tpu.memory_space<vmem>>
      %gather3A_506 = tpu.vector_load_idx %gather3A_505[%add3A_494, %broadcast_in_dim3A_51] : memref<160x256xf32, #tpu.memory_space<vmem>>[vector<16xi32>, vector<16xi32>], vector<16xf32>,
      %gather3A_507 = arith.constant 0 : i32
      %gather3A_508 = arith.constant 0 : i32
      %gather3A_509 = arith.constant 0 : i32
      %gather3A_510 = tpu.memref_slice %arg6[%gather3A_507, %gather3A_508, %gather3A_509] : memref<2x160x256xf32, #tpu.memory_space<vmem>> -> memref<1x160x256xf32, #tpu.memory_space<vmem>>
      %gather3A_511 = tpu.memref_squeeze %gather3A_510 : memref<1x160x256xf32, #tpu.memory_space<vmem>> -> memref<160x256xf32, #tpu.memory_space<vmem>>
      %gather3A_512 = tpu.vector_load_idx %gather3A_511[%add3A_494, %broadcast_in_dim3A_53] : memref<160x256xf32, #tpu.memory_space<vmem>>[vector<16xi32>, vector<16xi32>], vector<16xf32>,
      %gather3A_513 = arith.constant 0 : i32
      %gather3A_514 = arith.constant 0 : i32
      %gather3A_515 = arith.constant 0 : i32
      %gather3A_516 = tpu.memref_slice %arg6[%gather3A_513, %gather3A_514, %gather3A_515] : memref<2x160x256xf32, #tpu.memory_space<vmem>> -> memref<1x160x256xf32, #tpu.memory_space<vmem>>
      %gather3A_517 = tpu.memref_squeeze %gather3A_516 : memref<1x160x256xf32, #tpu.memory_space<vmem>> -> memref<160x256xf32, #tpu.memory_space<vmem>>
      %gather3A_518 = tpu.vector_load_idx %gather3A_517[%add3A_494, %broadcast_in_dim3A_55] : memref<160x256xf32, #tpu.memory_space<vmem>>[vector<16xi32>, vector<16xi32>], vector<16xf32>,
      %gather3A_519 = arith.constant 0 : i32
      %gather3A_520 = arith.constant 0 : i32
      %gather3A_521 = arith.constant 0 : i32
      %gather3A_522 = tpu.memref_slice %arg6[%gather3A_519, %gather3A_520, %gather3A_521] : memref<2x160x256xf32, #tpu.memory_space<vmem>> -> memref<1x160x256xf32, #tpu.memory_space<vmem>>
      %gather3A_523 = tpu.memref_squeeze %gather3A_522 : memref<1x160x256xf32, #tpu.memory_space<vmem>> -> memref<160x256xf32, #tpu.memory_space<vmem>>
      %gather3A_524 = tpu.vector_load_idx %gather3A_523[%add3A_494, %broadcast_in_dim3A_57] : memref<160x256xf32, #tpu.memory_space<vmem>>[vector<16xi32>, vector<16xi32>], vector<16xf32>,
      %gather3A_525 = arith.constant 0 : i32
      %gather3A_526 = arith.constant 0 : i32
      %gather3A_527 = arith.constant 0 : i32
      %gather3A_528 = tpu.memref_slice %arg6[%gather3A_525, %gather3A_526, %gather3A_527] : memref<2x160x256xf32, #tpu.memory_space<vmem>> -> memref<1x160x256xf32, #tpu.memory_space<vmem>>
      %gather3A_529 = tpu.memref_squeeze %gather3A_528 : memref<1x160x256xf32, #tpu.memory_space<vmem>> -> memref<160x256xf32, #tpu.memory_space<vmem>>
      %gather3A_530 = tpu.vector_load_idx %gather3A_529[%add3A_494, %broadcast_in_dim3A_59] : memref<160x256xf32, #tpu.memory_space<vmem>>[vector<16xi32>, vector<16xi32>], vector<16xf32>,
      %gather3A_531 = arith.constant 0 : i32
      %gather3A_532 = arith.constant 0 : i32
      %gather3A_533 = arith.constant 0 : i32
      %gather3A_534 = tpu.memref_slice %arg6[%gather3A_531, %gather3A_532, %gather3A_533] : memref<2x160x256xf32, #tpu.memory_space<vmem>> -> memref<1x160x256xf32, #tpu.memory_space<vmem>>
      %gather3A_535 = tpu.memref_squeeze %gather3A_534 : memref<1x160x256xf32, #tpu.memory_space<vmem>> -> memref<160x256xf32, #tpu.memory_space<vmem>>
      %gather3A_536 = tpu.vector_load_idx %gather3A_535[%add3A_494, %broadcast_in_dim3A_61] : memref<160x256xf32, #tpu.memory_space<vmem>>[vector<16xi32>, vector<16xi32>], vector<16xf32>,
      %gather3A_537 = arith.constant 0 : i32
      %gather3A_538 = arith.constant 0 : i32
      %gather3A_539 = arith.constant 0 : i32
      %gather3A_540 = tpu.memref_slice %arg6[%gather3A_537, %gather3A_538, %gather3A_539] : memref<2x160x256xf32, #tpu.memory_space<vmem>> -> memref<1x160x256xf32, #tpu.memory_space<vmem>>
      %gather3A_541 = tpu.memref_squeeze %gather3A_540 : memref<1x160x256xf32, #tpu.memory_space<vmem>> -> memref<160x256xf32, #tpu.memory_space<vmem>>
      %gather3A_542 = tpu.vector_load_idx %gather3A_541[%add3A_494, %broadcast_in_dim3A_63] : memref<160x256xf32, #tpu.memory_space<vmem>>[vector<16xi32>, vector<16xi32>], vector<16xf32>,
      %gather3A_543 = arith.constant 0 : i32
      %gather3A_544 = arith.constant 0 : i32
      %gather3A_545 = arith.constant 0 : i32
      %gather3A_546 = tpu.memref_slice %arg6[%gather3A_543, %gather3A_544, %gather3A_545] : memref<2x160x256xf32, #tpu.memory_space<vmem>> -> memref<1x160x256xf32, #tpu.memory_space<vmem>>
      %gather3A_547 = tpu.memref_squeeze %gather3A_546 : memref<1x160x256xf32, #tpu.memory_space<vmem>> -> memref<160x256xf32, #tpu.memory_space<vmem>>
      %gather3A_548 = tpu.vector_load_idx %gather3A_547[%add3A_494, %broadcast_in_dim3A_65] : memref<160x256xf32, #tpu.memory_space<vmem>>[vector<16xi32>, vector<16xi32>], vector<16xf32>,
      %gather3A_549 = arith.constant 0 : i32
      %gather3A_550 = arith.constant 0 : i32
      %gather3A_551 = arith.constant 0 : i32
      %gather3A_552 = tpu.memref_slice %arg6[%gather3A_549, %gather3A_550, %gather3A_551] : memref<2x160x256xf32, #tpu.memory_space<vmem>> -> memref<1x160x256xf32, #tpu.memory_space<vmem>>
      %gather3A_553 = tpu.memref_squeeze %gather3A_552 : memref<1x160x256xf32, #tpu.memory_space<vmem>> -> memref<160x256xf32, #tpu.memory_space<vmem>>
      %gather3A_554 = tpu.vector_load_idx %gather3A_553[%add3A_494, %broadcast_in_dim3A_67] : memref<160x256xf32, #tpu.memory_space<vmem>>[vector<16xi32>, vector<16xi32>], vector<16xf32>,
      %gather3A_555 = arith.constant 0 : i32
      %gather3A_556 = arith.constant 0 : i32
      %gather3A_557 = arith.constant 0 : i32
      %gather3A_558 = tpu.memref_slice %arg6[%gather3A_555, %gather3A_556, %gather3A_557] : memref<2x160x256xf32, #tpu.memory_space<vmem>> -> memref<1x160x256xf32, #tpu.memory_space<vmem>>
      %gather3A_559 = tpu.memref_squeeze %gather3A_558 : memref<1x160x256xf32, #tpu.memory_space<vmem>> -> memref<160x256xf32, #tpu.memory_space<vmem>>
      %gather3A_560 = tpu.vector_load_idx %gather3A_559[%add3A_494, %broadcast_in_dim3A_69] : memref<160x256xf32, #tpu.memory_space<vmem>>[vector<16xi32>, vector<16xi32>], vector<16xf32>,
      %gather3A_561 = arith.constant 0 : i32
      %gather3A_562 = arith.constant 0 : i32
      %gather3A_563 = arith.constant 0 : i32
      %gather3A_564 = tpu.memref_slice %arg6[%gather3A_561, %gather3A_562, %gather3A_563] : memref<2x160x256xf32, #tpu.memory_space<vmem>> -> memref<1x160x256xf32, #tpu.memory_space<vmem>>
      %gather3A_565 = tpu.memref_squeeze %gather3A_564 : memref<1x160x256xf32, #tpu.memory_space<vmem>> -> memref<160x256xf32, #tpu.memory_space<vmem>>
      %gather3A_566 = tpu.vector_load_idx %gather3A_565[%add3A_494, %broadcast_in_dim3A_71] : memref<160x256xf32, #tpu.memory_space<vmem>>[vector<16xi32>, vector<16xi32>], vector<16xf32>,
      %gather3A_567 = arith.constant 0 : i32
      %gather3A_568 = arith.constant 0 : i32
      %gather3A_569 = arith.constant 0 : i32
      %gather3A_570 = tpu.memref_slice %arg6[%gather3A_567, %gather3A_568, %gather3A_569] : memref<2x160x256xf32, #tpu.memory_space<vmem>> -> memref<1x160x256xf32, #tpu.memory_space<vmem>>
      %gather3A_571 = tpu.memref_squeeze %gather3A_570 : memref<1x160x256xf32, #tpu.memory_space<vmem>> -> memref<160x256xf32, #tpu.memory_space<vmem>>
      %gather3A_572 = tpu.vector_load_idx %gather3A_571[%add3A_494, %broadcast_in_dim3A_73] : memref<160x256xf32, #tpu.memory_space<vmem>>[vector<16xi32>, vector<16xi32>], vector<16xf32>,
      %gather3A_573 = arith.constant 0 : i32
      %gather3A_574 = arith.constant 0 : i32
      %gather3A_575 = arith.constant 0 : i32
      %gather3A_576 = tpu.memref_slice %arg6[%gather3A_573, %gather3A_574, %gather3A_575] : memref<2x160x256xf32, #tpu.memory_space<vmem>> -> memref<1x160x256xf32, #tpu.memory_space<vmem>>
      %gather3A_577 = tpu.memref_squeeze %gather3A_576 : memref<1x160x256xf32, #tpu.memory_space<vmem>> -> memref<160x256xf32, #tpu.memory_space<vmem>>
      %gather3A_578 = tpu.vector_load_idx %gather3A_577[%add3A_494, %broadcast_in_dim3A_75] : memref<160x256xf32, #tpu.memory_space<vmem>>[vector<16xi32>, vector<16xi32>], vector<16xf32>,
      %gather3A_579 = arith.constant 0 : i32
      %gather3A_580 = arith.constant 0 : i32
      %gather3A_581 = arith.constant 0 : i32
      %gather3A_582 = tpu.memref_slice %arg6[%gather3A_579, %gather3A_580, %gather3A_581] : memref<2x160x256xf32, #tpu.memory_space<vmem>> -> memref<1x160x256xf32, #tpu.memory_space<vmem>>
      %gather3A_583 = tpu.memref_squeeze %gather3A_582 : memref<1x160x256xf32, #tpu.memory_space<vmem>> -> memref<160x256xf32, #tpu.memory_space<vmem>>
      %gather3A_584 = tpu.vector_load_idx %gather3A_583[%add3A_494, %broadcast_in_dim3A_77] : memref<160x256xf32, #tpu.memory_space<vmem>>[vector<16xi32>, vector<16xi32>], vector<16xf32>,
      %gather3A_585 = arith.constant 0 : i32
      %gather3A_586 = arith.constant 0 : i32
      %gather3A_587 = arith.constant 0 : i32
      %gather3A_588 = tpu.memref_slice %arg6[%gather3A_585, %gather3A_586, %gather3A_587] : memref<2x160x256xf32, #tpu.memory_space<vmem>> -> memref<1x160x256xf32, #tpu.memory_space<vmem>>
      %gather3A_589 = tpu.memref_squeeze %gather3A_588 : memref<1x160x256xf32, #tpu.memory_space<vmem>> -> memref<160x256xf32, #tpu.memory_space<vmem>>
      %gather3A_590 = tpu.vector_load_idx %gather3A_589[%add3A_494, %broadcast_in_dim3A_79] : memref<160x256xf32, #tpu.memory_space<vmem>>[vector<16xi32>, vector<16xi32>], vector<16xf32>,
      %mul3A_591 = arith.mulf %mul3A_273, %gather3A_500 : vector<16xf32>
      %mul3A_592 = arith.mulf %sub3A_284, %gather3A_506 : vector<16xf32>
      %mul3A_593 = arith.mulf %sub3A_295, %gather3A_512 : vector<16xf32>
      %mul3A_594 = arith.mulf %sub3A_306, %gather3A_518 : vector<16xf32>
      %mul3A_595 = arith.mulf %sub3A_317, %gather3A_524 : vector<16xf32>
      %mul3A_596 = arith.mulf %sub3A_328, %gather3A_530 : vector<16xf32>
      %mul3A_597 = arith.mulf %sub3A_339, %gather3A_536 : vector<16xf32>
      %mul3A_598 = arith.mulf %sub3A_350, %gather3A_542 : vector<16xf32>
      %mul3A_599 = arith.mulf %sub3A_361, %gather3A_548 : vector<16xf32>
      %mul3A_600 = arith.mulf %sub3A_372, %gather3A_554 : vector<16xf32>
      %mul3A_601 = arith.mulf %sub3A_383, %gather3A_560 : vector<16xf32>
      %mul3A_602 = arith.mulf %sub3A_394, %gather3A_566 : vector<16xf32>
      %mul3A_603 = arith.mulf %sub3A_405, %gather3A_572 : vector<16xf32>
      %mul3A_604 = arith.mulf %sub3A_416, %gather3A_578 : vector<16xf32>
      %mul3A_605 = arith.mulf %sub3A_427, %gather3A_584 : vector<16xf32>
      %mul3A_606 = arith.mulf %sub3A_438, %gather3A_590 : vector<16xf32>
      %mul3A_607 = arith.mulf %mul3A_591, %gather3A_500 : vector<16xf32>
      %mul3A_608 = arith.mulf %gather3A_87, %gather3A_500 : vector<16xf32>
      %add3A_609 = arith.addf %gather3A_500, %gather3A_506 : vector<16xf32>
      %add3A_610 = arith.addf %mul3A_591, %mul3A_592 : vector<16xf32>
      %mul3A_611 = arith.mulf %mul3A_592, %gather3A_506 : vector<16xf32>
      %add3A_612 = arith.addf %mul3A_607, %mul3A_611 : vector<16xf32>
      %mul3A_613 = arith.mulf %gather3A_97, %gather3A_506 : vector<16xf32>
      %add3A_614 = arith.addf %mul3A_608, %mul3A_613 : vector<16xf32>
      %add3A_615 = arith.addf %add3A_609, %gather3A_512 : vector<16xf32>
      %add3A_616 = arith.addf %add3A_610, %mul3A_593 : vector<16xf32>
      %mul3A_617 = arith.mulf %mul3A_593, %gather3A_512 : vector<16xf32>
      %add3A_618 = arith.addf %add3A_612, %mul3A_617 : vector<16xf32>
      %mul3A_619 = arith.mulf %gather3A_107, %gather3A_512 : vector<16xf32>
      %add3A_620 = arith.addf %add3A_614, %mul3A_619 : vector<16xf32>
      %add3A_621 = arith.addf %add3A_615, %gather3A_518 : vector<16xf32>
      %add3A_622 = arith.addf %add3A_616, %mul3A_594 : vector<16xf32>
      %mul3A_623 = arith.mulf %mul3A_594, %gather3A_518 : vector<16xf32>
      %add3A_624 = arith.addf %add3A_618, %mul3A_623 : vector<16xf32>
      %mul3A_625 = arith.mulf %gather3A_117, %gather3A_518 : vector<16xf32>
      %add3A_626 = arith.addf %add3A_620, %mul3A_625 : vector<16xf32>
      %add3A_627 = arith.addf %add3A_621, %gather3A_524 : vector<16xf32>
      %add3A_628 = arith.addf %add3A_622, %mul3A_595 : vector<16xf32>
      %mul3A_629 = arith.mulf %mul3A_595, %gather3A_524 : vector<16xf32>
      %add3A_630 = arith.addf %add3A_624, %mul3A_629 : vector<16xf32>
      %mul3A_631 = arith.mulf %gather3A_127, %gather3A_524 : vector<16xf32>
      %add3A_632 = arith.addf %add3A_626, %mul3A_631 : vector<16xf32>
      %add3A_633 = arith.addf %add3A_627, %gather3A_530 : vector<16xf32>
      %add3A_634 = arith.addf %add3A_628, %mul3A_596 : vector<16xf32>
      %mul3A_635 = arith.mulf %mul3A_596, %gather3A_530 : vector<16xf32>
      %add3A_636 = arith.addf %add3A_630, %mul3A_635 : vector<16xf32>
      %mul3A_637 = arith.mulf %gather3A_137, %gather3A_530 : vector<16xf32>
      %add3A_638 = arith.addf %add3A_632, %mul3A_637 : vector<16xf32>
      %add3A_639 = arith.addf %add3A_633, %gather3A_536 : vector<16xf32>
      %add3A_640 = arith.addf %add3A_634, %mul3A_597 : vector<16xf32>
      %mul3A_641 = arith.mulf %mul3A_597, %gather3A_536 : vector<16xf32>
      %add3A_642 = arith.addf %add3A_636, %mul3A_641 : vector<16xf32>
      %mul3A_643 = arith.mulf %gather3A_147, %gather3A_536 : vector<16xf32>
      %add3A_644 = arith.addf %add3A_638, %mul3A_643 : vector<16xf32>
      %add3A_645 = arith.addf %add3A_639, %gather3A_542 : vector<16xf32>
      %add3A_646 = arith.addf %add3A_640, %mul3A_598 : vector<16xf32>
      %mul3A_647 = arith.mulf %mul3A_598, %gather3A_542 : vector<16xf32>
      %add3A_648 = arith.addf %add3A_642, %mul3A_647 : vector<16xf32>
      %mul3A_649 = arith.mulf %gather3A_157, %gather3A_542 : vector<16xf32>
      %add3A_650 = arith.addf %add3A_644, %mul3A_649 : vector<16xf32>
      %add3A_651 = arith.addf %add3A_645, %gather3A_548 : vector<16xf32>
      %add3A_652 = arith.addf %add3A_646, %mul3A_599 : vector<16xf32>
      %mul3A_653 = arith.mulf %mul3A_599, %gather3A_548 : vector<16xf32>
      %add3A_654 = arith.addf %add3A_648, %mul3A_653 : vector<16xf32>
      %mul3A_655 = arith.mulf %gather3A_167, %gather3A_548 : vector<16xf32>
      %add3A_656 = arith.addf %add3A_650, %mul3A_655 : vector<16xf32>
      %add3A_657 = arith.addf %add3A_651, %gather3A_554 : vector<16xf32>
      %add3A_658 = arith.addf %add3A_652, %mul3A_600 : vector<16xf32>
      %mul3A_659 = arith.mulf %mul3A_600, %gather3A_554 : vector<16xf32>
      %add3A_660 = arith.addf %add3A_654, %mul3A_659 : vector<16xf32>
      %mul3A_661 = arith.mulf %gather3A_177, %gather3A_554 : vector<16xf32>
      %add3A_662 = arith.addf %add3A_656, %mul3A_661 : vector<16xf32>
      %add3A_663 = arith.addf %add3A_657, %gather3A_560 : vector<16xf32>
      %add3A_664 = arith.addf %add3A_658, %mul3A_601 : vector<16xf32>
      %mul3A_665 = arith.mulf %mul3A_601, %gather3A_560 : vector<16xf32>
      %add3A_666 = arith.addf %add3A_660, %mul3A_665 : vector<16xf32>
      %mul3A_667 = arith.mulf %gather3A_187, %gather3A_560 : vector<16xf32>
      %add3A_668 = arith.addf %add3A_662, %mul3A_667 : vector<16xf32>
      %add3A_669 = arith.addf %add3A_663, %gather3A_566 : vector<16xf32>
      %add3A_670 = arith.addf %add3A_664, %mul3A_602 : vector<16xf32>
      %mul3A_671 = arith.mulf %mul3A_602, %gather3A_566 : vector<16xf32>
      %add3A_672 = arith.addf %add3A_666, %mul3A_671 : vector<16xf32>
      %mul3A_673 = arith.mulf %gather3A_197, %gather3A_566 : vector<16xf32>
      %add3A_674 = arith.addf %add3A_668, %mul3A_673 : vector<16xf32>
      %add3A_675 = arith.addf %add3A_669, %gather3A_572 : vector<16xf32>
      %add3A_676 = arith.addf %add3A_670, %mul3A_603 : vector<16xf32>
      %mul3A_677 = arith.mulf %mul3A_603, %gather3A_572 : vector<16xf32>
      %add3A_678 = arith.addf %add3A_672, %mul3A_677 : vector<16xf32>
      %mul3A_679 = arith.mulf %gather3A_207, %gather3A_572 : vector<16xf32>
      %add3A_680 = arith.addf %add3A_674, %mul3A_679 : vector<16xf32>
      %add3A_681 = arith.addf %add3A_675, %gather3A_578 : vector<16xf32>
      %add3A_682 = arith.addf %add3A_676, %mul3A_604 : vector<16xf32>
      %mul3A_683 = arith.mulf %mul3A_604, %gather3A_578 : vector<16xf32>
      %add3A_684 = arith.addf %add3A_678, %mul3A_683 : vector<16xf32>
      %mul3A_685 = arith.mulf %gather3A_217, %gather3A_578 : vector<16xf32>
      %add3A_686 = arith.addf %add3A_680, %mul3A_685 : vector<16xf32>
      %add3A_687 = arith.addf %add3A_681, %gather3A_584 : vector<16xf32>
      %add3A_688 = arith.addf %add3A_682, %mul3A_605 : vector<16xf32>
      %mul3A_689 = arith.mulf %mul3A_605, %gather3A_584 : vector<16xf32>
      %add3A_690 = arith.addf %add3A_684, %mul3A_689 : vector<16xf32>
      %mul3A_691 = arith.mulf %gather3A_227, %gather3A_584 : vector<16xf32>
      %add3A_692 = arith.addf %add3A_686, %mul3A_691 : vector<16xf32>
      %add3A_693 = arith.addf %add3A_687, %gather3A_590 : vector<16xf32>
      %add3A_694 = arith.addf %add3A_688, %mul3A_606 : vector<16xf32>
      %mul3A_695 = arith.mulf %mul3A_606, %gather3A_590 : vector<16xf32>
      %add3A_696 = arith.addf %add3A_690, %mul3A_695 : vector<16xf32>
      %mul3A_697 = arith.mulf %gather3A_237, %gather3A_590 : vector<16xf32>
      %add3A_698 = arith.addf %add3A_692, %mul3A_697 : vector<16xf32>
      %mul3A_699 = arith.mulf %add3A_694, %add3A_693 : vector<16xf32>
      %add3A_700 = arith.addf %add3A_698, %mul3A_699 : vector<16xf32>
      %sub3A_701 = arith.subf %add3A_700, %add3A_696 : vector<16xf32>
      %mul3A_702 = arith.constant 16 : i32
      %mul3A_703 = arith.muli %scan3A_490, %mul3A_702 : i32
      %add3A_704 = arith.constant 0 : i32
      %add3A_705 = arith.addi %add3A_704, %mul3A_703 : i32
      %swap3A = arith.index_cast %add3A_705 : i32 to index
      %swap3A_706 = tpu.vector_load %arg7[%swap3A] {strides = array<i32>} : memref<320xf32, #tpu.memory_space<vmem>>, vector<16xf32>,
      tpu.vector_store %arg7[%swap3A], %sub3A_701 {strides = array<i32>} : memref<320xf32, #tpu.memory_space<vmem>>, vector<16xf32>,
    }
    %scan3A_470 = arith.constant 10 : i32
    %dma_wait3A_471 = arith.constant 1 : i32
    %dma_wait3A_472 = arith.constant 0 : i32
    %dma_wait3A_473 = arith.constant 0 : i32
    %dma_wait3A_474 = tpu.memref_slice %arg6[%dma_wait3A_471, %dma_wait3A_472, %dma_wait3A_473] : memref<2x160x256xf32, #tpu.memory_space<vmem>> -> memref<1x160x256xf32, #tpu.memory_space<vmem>>
    %dma_wait3A_475 = tpu.memref_squeeze %dma_wait3A_474 : memref<1x160x256xf32, #tpu.memory_space<vmem>> -> memref<160x256xf32, #tpu.memory_space<vmem>>
    %dma_wait3A_476 = arith.constant 0 : i32
    %dma_wait3A_477 = tpu.memref_slice %arg2[%add3A_440, %dma_wait3A_476] : memref<16384x256xf32, #tpu.memory_space<hbm>> -> memref<160x256xf32, #tpu.memory_space<hbm>>
    %dma_wait3A_478 = arith.constant 0 : i32
    %dma_wait3A_479 = arith.constant 0 : i32
    %dma_wait3A_480 = tpu.memref_slice %arg6[%dma_wait3A_471, %dma_wait3A_478, %dma_wait3A_479] : memref<2x160x256xf32, #tpu.memory_space<vmem>> -> memref<1x160x256xf32, #tpu.memory_space<vmem>>
    %dma_wait3A_481 = tpu.memref_squeeze %dma_wait3A_480 : memref<1x160x256xf32, #tpu.memory_space<vmem>> -> memref<160x256xf32, #tpu.memory_space<vmem>>
    %dma_wait3A_482 = arith.constant 0 : i32
    %dma_wait3A_483 = tpu.memref_slice %arg2[%add3A_440, %dma_wait3A_482] : memref<16384x256xf32, #tpu.memory_space<hbm>> -> memref<160x256xf32, #tpu.memory_space<hbm>>
    tpu.wait_dma2 semaphore(%arg11 : memref<!tpu.dma_semaphore, #tpu.memory_space<semaphore_mem>>) src(%dma_wait3A_483 : memref<160x256xf32, #tpu.memory_space<hbm>>) dst(%dma_wait3A_481 : memref<160x256xf32, #tpu.memory_space<vmem>>)
    %scan3A_484 = arith.constant 0 : i32
    %scan3A_485 = arith.constant 0 : i32
    %scan3A_486 = arith.constant 10 : i32
    %scan3A_487 = arith.addi %scan3A_485, %scan3A_486 : i32
    %scan3A_488 = arith.constant 1 : i32
    scf.for %scan3A_490 = %scan3A_485 to %scan3A_487 step %scan3A_488  : i32 {
      %mul3A_491 = arith.constant 16 : i32
      %mul3A_492 = arith.muli %scan3A_490, %mul3A_491 : i32
      %add3A_493 = vector.broadcast %mul3A_492 : i32 to vector<16xi32>
      %add3A_494 = arith.addi %iota3A, %add3A_493 : vector<16xi32>
      %gather3A_495 = arith.constant 1 : i32
      %gather3A_496 = arith.constant 0 : i32
      %gather3A_497 = arith.constant 0 : i32
      %gather3A_498 = tpu.memref_slice %arg6[%gather3A_495, %gather3A_496, %gather3A_497] : memref<2x160x256xf32, #tpu.memory_space<vmem>> -> memref<1x160x256xf32, #tpu.memory_space<vmem>>
      %gather3A_499 = tpu.memref_squeeze %gather3A_498 : memref<1x160x256xf32, #tpu.memory_space<vmem>> -> memref<160x256xf32, #tpu.memory_space<vmem>>
      %gather3A_500 = tpu.vector_load_idx %gather3A_499[%add3A_494, %broadcast_in_dim3A_49] : memref<160x256xf32, #tpu.memory_space<vmem>>[vector<16xi32>, vector<16xi32>], vector<16xf32>,
      %gather3A_501 = arith.constant 1 : i32
      %gather3A_502 = arith.constant 0 : i32
      %gather3A_503 = arith.constant 0 : i32
      %gather3A_504 = tpu.memref_slice %arg6[%gather3A_501, %gather3A_502, %gather3A_503] : memref<2x160x256xf32, #tpu.memory_space<vmem>> -> memref<1x160x256xf32, #tpu.memory_space<vmem>>
      %gather3A_505 = tpu.memref_squeeze %gather3A_504 : memref<1x160x256xf32, #tpu.memory_space<vmem>> -> memref<160x256xf32, #tpu.memory_space<vmem>>
      %gather3A_506 = tpu.vector_load_idx %gather3A_505[%add3A_494, %broadcast_in_dim3A_51] : memref<160x256xf32, #tpu.memory_space<vmem>>[vector<16xi32>, vector<16xi32>], vector<16xf32>,
      %gather3A_507 = arith.constant 1 : i32
      %gather3A_508 = arith.constant 0 : i32
      %gather3A_509 = arith.constant 0 : i32
      %gather3A_510 = tpu.memref_slice %arg6[%gather3A_507, %gather3A_508, %gather3A_509] : memref<2x160x256xf32, #tpu.memory_space<vmem>> -> memref<1x160x256xf32, #tpu.memory_space<vmem>>
      %gather3A_511 = tpu.memref_squeeze %gather3A_510 : memref<1x160x256xf32, #tpu.memory_space<vmem>> -> memref<160x256xf32, #tpu.memory_space<vmem>>
      %gather3A_512 = tpu.vector_load_idx %gather3A_511[%add3A_494, %broadcast_in_dim3A_53] : memref<160x256xf32, #tpu.memory_space<vmem>>[vector<16xi32>, vector<16xi32>], vector<16xf32>,
      %gather3A_513 = arith.constant 1 : i32
      %gather3A_514 = arith.constant 0 : i32
      %gather3A_515 = arith.constant 0 : i32
      %gather3A_516 = tpu.memref_slice %arg6[%gather3A_513, %gather3A_514, %gather3A_515] : memref<2x160x256xf32, #tpu.memory_space<vmem>> -> memref<1x160x256xf32, #tpu.memory_space<vmem>>
      %gather3A_517 = tpu.memref_squeeze %gather3A_516 : memref<1x160x256xf32, #tpu.memory_space<vmem>> -> memref<160x256xf32, #tpu.memory_space<vmem>>
      %gather3A_518 = tpu.vector_load_idx %gather3A_517[%add3A_494, %broadcast_in_dim3A_55] : memref<160x256xf32, #tpu.memory_space<vmem>>[vector<16xi32>, vector<16xi32>], vector<16xf32>,
      %gather3A_519 = arith.constant 1 : i32
      %gather3A_520 = arith.constant 0 : i32
      %gather3A_521 = arith.constant 0 : i32
      %gather3A_522 = tpu.memref_slice %arg6[%gather3A_519, %gather3A_520, %gather3A_521] : memref<2x160x256xf32, #tpu.memory_space<vmem>> -> memref<1x160x256xf32, #tpu.memory_space<vmem>>
      %gather3A_523 = tpu.memref_squeeze %gather3A_522 : memref<1x160x256xf32, #tpu.memory_space<vmem>> -> memref<160x256xf32, #tpu.memory_space<vmem>>
      %gather3A_524 = tpu.vector_load_idx %gather3A_523[%add3A_494, %broadcast_in_dim3A_57] : memref<160x256xf32, #tpu.memory_space<vmem>>[vector<16xi32>, vector<16xi32>], vector<16xf32>,
      %gather3A_525 = arith.constant 1 : i32
      %gather3A_526 = arith.constant 0 : i32
      %gather3A_527 = arith.constant 0 : i32
      %gather3A_528 = tpu.memref_slice %arg6[%gather3A_525, %gather3A_526, %gather3A_527] : memref<2x160x256xf32, #tpu.memory_space<vmem>> -> memref<1x160x256xf32, #tpu.memory_space<vmem>>
      %gather3A_529 = tpu.memref_squeeze %gather3A_528 : memref<1x160x256xf32, #tpu.memory_space<vmem>> -> memref<160x256xf32, #tpu.memory_space<vmem>>
      %gather3A_530 = tpu.vector_load_idx %gather3A_529[%add3A_494, %broadcast_in_dim3A_59] : memref<160x256xf32, #tpu.memory_space<vmem>>[vector<16xi32>, vector<16xi32>], vector<16xf32>,
      %gather3A_531 = arith.constant 1 : i32
      %gather3A_532 = arith.constant 0 : i32
      %gather3A_533 = arith.constant 0 : i32
      %gather3A_534 = tpu.memref_slice %arg6[%gather3A_531, %gather3A_532, %gather3A_533] : memref<2x160x256xf32, #tpu.memory_space<vmem>> -> memref<1x160x256xf32, #tpu.memory_space<vmem>>
      %gather3A_535 = tpu.memref_squeeze %gather3A_534 : memref<1x160x256xf32, #tpu.memory_space<vmem>> -> memref<160x256xf32, #tpu.memory_space<vmem>>
      %gather3A_536 = tpu.vector_load_idx %gather3A_535[%add3A_494, %broadcast_in_dim3A_61] : memref<160x256xf32, #tpu.memory_space<vmem>>[vector<16xi32>, vector<16xi32>], vector<16xf32>,
      %gather3A_537 = arith.constant 1 : i32
      %gather3A_538 = arith.constant 0 : i32
      %gather3A_539 = arith.constant 0 : i32
      %gather3A_540 = tpu.memref_slice %arg6[%gather3A_537, %gather3A_538, %gather3A_539] : memref<2x160x256xf32, #tpu.memory_space<vmem>> -> memref<1x160x256xf32, #tpu.memory_space<vmem>>
      %gather3A_541 = tpu.memref_squeeze %gather3A_540 : memref<1x160x256xf32, #tpu.memory_space<vmem>> -> memref<160x256xf32, #tpu.memory_space<vmem>>
      %gather3A_542 = tpu.vector_load_idx %gather3A_541[%add3A_494, %broadcast_in_dim3A_63] : memref<160x256xf32, #tpu.memory_space<vmem>>[vector<16xi32>, vector<16xi32>], vector<16xf32>,
      %gather3A_543 = arith.constant 1 : i32
      %gather3A_544 = arith.constant 0 : i32
      %gather3A_545 = arith.constant 0 : i32
      %gather3A_546 = tpu.memref_slice %arg6[%gather3A_543, %gather3A_544, %gather3A_545] : memref<2x160x256xf32, #tpu.memory_space<vmem>> -> memref<1x160x256xf32, #tpu.memory_space<vmem>>
      %gather3A_547 = tpu.memref_squeeze %gather3A_546 : memref<1x160x256xf32, #tpu.memory_space<vmem>> -> memref<160x256xf32, #tpu.memory_space<vmem>>
      %gather3A_548 = tpu.vector_load_idx %gather3A_547[%add3A_494, %broadcast_in_dim3A_65] : memref<160x256xf32, #tpu.memory_space<vmem>>[vector<16xi32>, vector<16xi32>], vector<16xf32>,
      %gather3A_549 = arith.constant 1 : i32
      %gather3A_550 = arith.constant 0 : i32
      %gather3A_551 = arith.constant 0 : i32
      %gather3A_552 = tpu.memref_slice %arg6[%gather3A_549, %gather3A_550, %gather3A_551] : memref<2x160x256xf32, #tpu.memory_space<vmem>> -> memref<1x160x256xf32, #tpu.memory_space<vmem>>
      %gather3A_553 = tpu.memref_squeeze %gather3A_552 : memref<1x160x256xf32, #tpu.memory_space<vmem>> -> memref<160x256xf32, #tpu.memory_space<vmem>>
      %gather3A_554 = tpu.vector_load_idx %gather3A_553[%add3A_494, %broadcast_in_dim3A_67] : memref<160x256xf32, #tpu.memory_space<vmem>>[vector<16xi32>, vector<16xi32>], vector<16xf32>,
      %gather3A_555 = arith.constant 1 : i32
      %gather3A_556 = arith.constant 0 : i32
      %gather3A_557 = arith.constant 0 : i32
      %gather3A_558 = tpu.memref_slice %arg6[%gather3A_555, %gather3A_556, %gather3A_557] : memref<2x160x256xf32, #tpu.memory_space<vmem>> -> memref<1x160x256xf32, #tpu.memory_space<vmem>>
      %gather3A_559 = tpu.memref_squeeze %gather3A_558 : memref<1x160x256xf32, #tpu.memory_space<vmem>> -> memref<160x256xf32, #tpu.memory_space<vmem>>
      %gather3A_560 = tpu.vector_load_idx %gather3A_559[%add3A_494, %broadcast_in_dim3A_69] : memref<160x256xf32, #tpu.memory_space<vmem>>[vector<16xi32>, vector<16xi32>], vector<16xf32>,
      %gather3A_561 = arith.constant 1 : i32
      %gather3A_562 = arith.constant 0 : i32
      %gather3A_563 = arith.constant 0 : i32
      %gather3A_564 = tpu.memref_slice %arg6[%gather3A_561, %gather3A_562, %gather3A_563] : memref<2x160x256xf32, #tpu.memory_space<vmem>> -> memref<1x160x256xf32, #tpu.memory_space<vmem>>
      %gather3A_565 = tpu.memref_squeeze %gather3A_564 : memref<1x160x256xf32, #tpu.memory_space<vmem>> -> memref<160x256xf32, #tpu.memory_space<vmem>>
      %gather3A_566 = tpu.vector_load_idx %gather3A_565[%add3A_494, %broadcast_in_dim3A_71] : memref<160x256xf32, #tpu.memory_space<vmem>>[vector<16xi32>, vector<16xi32>], vector<16xf32>,
      %gather3A_567 = arith.constant 1 : i32
      %gather3A_568 = arith.constant 0 : i32
      %gather3A_569 = arith.constant 0 : i32
      %gather3A_570 = tpu.memref_slice %arg6[%gather3A_567, %gather3A_568, %gather3A_569] : memref<2x160x256xf32, #tpu.memory_space<vmem>> -> memref<1x160x256xf32, #tpu.memory_space<vmem>>
      %gather3A_571 = tpu.memref_squeeze %gather3A_570 : memref<1x160x256xf32, #tpu.memory_space<vmem>> -> memref<160x256xf32, #tpu.memory_space<vmem>>
      %gather3A_572 = tpu.vector_load_idx %gather3A_571[%add3A_494, %broadcast_in_dim3A_73] : memref<160x256xf32, #tpu.memory_space<vmem>>[vector<16xi32>, vector<16xi32>], vector<16xf32>,
      %gather3A_573 = arith.constant 1 : i32
      %gather3A_574 = arith.constant 0 : i32
      %gather3A_575 = arith.constant 0 : i32
      %gather3A_576 = tpu.memref_slice %arg6[%gather3A_573, %gather3A_574, %gather3A_575] : memref<2x160x256xf32, #tpu.memory_space<vmem>> -> memref<1x160x256xf32, #tpu.memory_space<vmem>>
      %gather3A_577 = tpu.memref_squeeze %gather3A_576 : memref<1x160x256xf32, #tpu.memory_space<vmem>> -> memref<160x256xf32, #tpu.memory_space<vmem>>
      %gather3A_578 = tpu.vector_load_idx %gather3A_577[%add3A_494, %broadcast_in_dim3A_75] : memref<160x256xf32, #tpu.memory_space<vmem>>[vector<16xi32>, vector<16xi32>], vector<16xf32>,
      %gather3A_579 = arith.constant 1 : i32
      %gather3A_580 = arith.constant 0 : i32
      %gather3A_581 = arith.constant 0 : i32
      %gather3A_582 = tpu.memref_slice %arg6[%gather3A_579, %gather3A_580, %gather3A_581] : memref<2x160x256xf32, #tpu.memory_space<vmem>> -> memref<1x160x256xf32, #tpu.memory_space<vmem>>
      %gather3A_583 = tpu.memref_squeeze %gather3A_582 : memref<1x160x256xf32, #tpu.memory_space<vmem>> -> memref<160x256xf32, #tpu.memory_space<vmem>>
      %gather3A_584 = tpu.vector_load_idx %gather3A_583[%add3A_494, %broadcast_in_dim3A_77] : memref<160x256xf32, #tpu.memory_space<vmem>>[vector<16xi32>, vector<16xi32>], vector<16xf32>,
      %gather3A_585 = arith.constant 1 : i32
      %gather3A_586 = arith.constant 0 : i32
      %gather3A_587 = arith.constant 0 : i32
      %gather3A_588 = tpu.memref_slice %arg6[%gather3A_585, %gather3A_586, %gather3A_587] : memref<2x160x256xf32, #tpu.memory_space<vmem>> -> memref<1x160x256xf32, #tpu.memory_space<vmem>>
      %gather3A_589 = tpu.memref_squeeze %gather3A_588 : memref<1x160x256xf32, #tpu.memory_space<vmem>> -> memref<160x256xf32, #tpu.memory_space<vmem>>
      %gather3A_590 = tpu.vector_load_idx %gather3A_589[%add3A_494, %broadcast_in_dim3A_79] : memref<160x256xf32, #tpu.memory_space<vmem>>[vector<16xi32>, vector<16xi32>], vector<16xf32>,
      %mul3A_591 = arith.mulf %mul3A_273, %gather3A_500 : vector<16xf32>
      %mul3A_592 = arith.mulf %sub3A_284, %gather3A_506 : vector<16xf32>
      %mul3A_593 = arith.mulf %sub3A_295, %gather3A_512 : vector<16xf32>
      %mul3A_594 = arith.mulf %sub3A_306, %gather3A_518 : vector<16xf32>
      %mul3A_595 = arith.mulf %sub3A_317, %gather3A_524 : vector<16xf32>
      %mul3A_596 = arith.mulf %sub3A_328, %gather3A_530 : vector<16xf32>
      %mul3A_597 = arith.mulf %sub3A_339, %gather3A_536 : vector<16xf32>
      %mul3A_598 = arith.mulf %sub3A_350, %gather3A_542 : vector<16xf32>
      %mul3A_599 = arith.mulf %sub3A_361, %gather3A_548 : vector<16xf32>
      %mul3A_600 = arith.mulf %sub3A_372, %gather3A_554 : vector<16xf32>
      %mul3A_601 = arith.mulf %sub3A_383, %gather3A_560 : vector<16xf32>
      %mul3A_602 = arith.mulf %sub3A_394, %gather3A_566 : vector<16xf32>
      %mul3A_603 = arith.mulf %sub3A_405, %gather3A_572 : vector<16xf32>
      %mul3A_604 = arith.mulf %sub3A_416, %gather3A_578 : vector<16xf32>
      %mul3A_605 = arith.mulf %sub3A_427, %gather3A_584 : vector<16xf32>
      %mul3A_606 = arith.mulf %sub3A_438, %gather3A_590 : vector<16xf32>
      %mul3A_607 = arith.mulf %mul3A_591, %gather3A_500 : vector<16xf32>
      %mul3A_608 = arith.mulf %gather3A_87, %gather3A_500 : vector<16xf32>
      %add3A_609 = arith.addf %gather3A_500, %gather3A_506 : vector<16xf32>
      %add3A_610 = arith.addf %mul3A_591, %mul3A_592 : vector<16xf32>
      %mul3A_611 = arith.mulf %mul3A_592, %gather3A_506 : vector<16xf32>
      %add3A_612 = arith.addf %mul3A_607, %mul3A_611 : vector<16xf32>
      %mul3A_613 = arith.mulf %gather3A_97, %gather3A_506 : vector<16xf32>
      %add3A_614 = arith.addf %mul3A_608, %mul3A_613 : vector<16xf32>
      %add3A_615 = arith.addf %add3A_609, %gather3A_512 : vector<16xf32>
      %add3A_616 = arith.addf %add3A_610, %mul3A_593 : vector<16xf32>
      %mul3A_617 = arith.mulf %mul3A_593, %gather3A_512 : vector<16xf32>
      %add3A_618 = arith.addf %add3A_612, %mul3A_617 : vector<16xf32>
      %mul3A_619 = arith.mulf %gather3A_107, %gather3A_512 : vector<16xf32>
      %add3A_620 = arith.addf %add3A_614, %mul3A_619 : vector<16xf32>
      %add3A_621 = arith.addf %add3A_615, %gather3A_518 : vector<16xf32>
      %add3A_622 = arith.addf %add3A_616, %mul3A_594 : vector<16xf32>
      %mul3A_623 = arith.mulf %mul3A_594, %gather3A_518 : vector<16xf32>
      %add3A_624 = arith.addf %add3A_618, %mul3A_623 : vector<16xf32>
      %mul3A_625 = arith.mulf %gather3A_117, %gather3A_518 : vector<16xf32>
      %add3A_626 = arith.addf %add3A_620, %mul3A_625 : vector<16xf32>
      %add3A_627 = arith.addf %add3A_621, %gather3A_524 : vector<16xf32>
      %add3A_628 = arith.addf %add3A_622, %mul3A_595 : vector<16xf32>
      %mul3A_629 = arith.mulf %mul3A_595, %gather3A_524 : vector<16xf32>
      %add3A_630 = arith.addf %add3A_624, %mul3A_629 : vector<16xf32>
      %mul3A_631 = arith.mulf %gather3A_127, %gather3A_524 : vector<16xf32>
      %add3A_632 = arith.addf %add3A_626, %mul3A_631 : vector<16xf32>
      %add3A_633 = arith.addf %add3A_627, %gather3A_530 : vector<16xf32>
      %add3A_634 = arith.addf %add3A_628, %mul3A_596 : vector<16xf32>
      %mul3A_635 = arith.mulf %mul3A_596, %gather3A_530 : vector<16xf32>
      %add3A_636 = arith.addf %add3A_630, %mul3A_635 : vector<16xf32>
      %mul3A_637 = arith.mulf %gather3A_137, %gather3A_530 : vector<16xf32>
      %add3A_638 = arith.addf %add3A_632, %mul3A_637 : vector<16xf32>
      %add3A_639 = arith.addf %add3A_633, %gather3A_536 : vector<16xf32>
      %add3A_640 = arith.addf %add3A_634, %mul3A_597 : vector<16xf32>
      %mul3A_641 = arith.mulf %mul3A_597, %gather3A_536 : vector<16xf32>
      %add3A_642 = arith.addf %add3A_636, %mul3A_641 : vector<16xf32>
      %mul3A_643 = arith.mulf %gather3A_147, %gather3A_536 : vector<16xf32>
      %add3A_644 = arith.addf %add3A_638, %mul3A_643 : vector<16xf32>
      %add3A_645 = arith.addf %add3A_639, %gather3A_542 : vector<16xf32>
      %add3A_646 = arith.addf %add3A_640, %mul3A_598 : vector<16xf32>
      %mul3A_647 = arith.mulf %mul3A_598, %gather3A_542 : vector<16xf32>
      %add3A_648 = arith.addf %add3A_642, %mul3A_647 : vector<16xf32>
      %mul3A_649 = arith.mulf %gather3A_157, %gather3A_542 : vector<16xf32>
      %add3A_650 = arith.addf %add3A_644, %mul3A_649 : vector<16xf32>
      %add3A_651 = arith.addf %add3A_645, %gather3A_548 : vector<16xf32>
      %add3A_652 = arith.addf %add3A_646, %mul3A_599 : vector<16xf32>
      %mul3A_653 = arith.mulf %mul3A_599, %gather3A_548 : vector<16xf32>
      %add3A_654 = arith.addf %add3A_648, %mul3A_653 : vector<16xf32>
      %mul3A_655 = arith.mulf %gather3A_167, %gather3A_548 : vector<16xf32>
      %add3A_656 = arith.addf %add3A_650, %mul3A_655 : vector<16xf32>
      %add3A_657 = arith.addf %add3A_651, %gather3A_554 : vector<16xf32>
      %add3A_658 = arith.addf %add3A_652, %mul3A_600 : vector<16xf32>
      %mul3A_659 = arith.mulf %mul3A_600, %gather3A_554 : vector<16xf32>
      %add3A_660 = arith.addf %add3A_654, %mul3A_659 : vector<16xf32>
      %mul3A_661 = arith.mulf %gather3A_177, %gather3A_554 : vector<16xf32>
      %add3A_662 = arith.addf %add3A_656, %mul3A_661 : vector<16xf32>
      %add3A_663 = arith.addf %add3A_657, %gather3A_560 : vector<16xf32>
      %add3A_664 = arith.addf %add3A_658, %mul3A_601 : vector<16xf32>
      %mul3A_665 = arith.mulf %mul3A_601, %gather3A_560 : vector<16xf32>
      %add3A_666 = arith.addf %add3A_660, %mul3A_665 : vector<16xf32>
      %mul3A_667 = arith.mulf %gather3A_187, %gather3A_560 : vector<16xf32>
      %add3A_668 = arith.addf %add3A_662, %mul3A_667 : vector<16xf32>
      %add3A_669 = arith.addf %add3A_663, %gather3A_566 : vector<16xf32>
      %add3A_670 = arith.addf %add3A_664, %mul3A_602 : vector<16xf32>
      %mul3A_671 = arith.mulf %mul3A_602, %gather3A_566 : vector<16xf32>
      %add3A_672 = arith.addf %add3A_666, %mul3A_671 : vector<16xf32>
      %mul3A_673 = arith.mulf %gather3A_197, %gather3A_566 : vector<16xf32>
      %add3A_674 = arith.addf %add3A_668, %mul3A_673 : vector<16xf32>
      %add3A_675 = arith.addf %add3A_669, %gather3A_572 : vector<16xf32>
      %add3A_676 = arith.addf %add3A_670, %mul3A_603 : vector<16xf32>
      %mul3A_677 = arith.mulf %mul3A_603, %gather3A_572 : vector<16xf32>
      %add3A_678 = arith.addf %add3A_672, %mul3A_677 : vector<16xf32>
      %mul3A_679 = arith.mulf %gather3A_207, %gather3A_572 : vector<16xf32>
      %add3A_680 = arith.addf %add3A_674, %mul3A_679 : vector<16xf32>
      %add3A_681 = arith.addf %add3A_675, %gather3A_578 : vector<16xf32>
      %add3A_682 = arith.addf %add3A_676, %mul3A_604 : vector<16xf32>
      %mul3A_683 = arith.mulf %mul3A_604, %gather3A_578 : vector<16xf32>
      %add3A_684 = arith.addf %add3A_678, %mul3A_683 : vector<16xf32>
      %mul3A_685 = arith.mulf %gather3A_217, %gather3A_578 : vector<16xf32>
      %add3A_686 = arith.addf %add3A_680, %mul3A_685 : vector<16xf32>
      %add3A_687 = arith.addf %add3A_681, %gather3A_584 : vector<16xf32>
      %add3A_688 = arith.addf %add3A_682, %mul3A_605 : vector<16xf32>
      %mul3A_689 = arith.mulf %mul3A_605, %gather3A_584 : vector<16xf32>
      %add3A_690 = arith.addf %add3A_684, %mul3A_689 : vector<16xf32>
      %mul3A_691 = arith.mulf %gather3A_227, %gather3A_584 : vector<16xf32>
      %add3A_692 = arith.addf %add3A_686, %mul3A_691 : vector<16xf32>
      %add3A_693 = arith.addf %add3A_687, %gather3A_590 : vector<16xf32>
      %add3A_694 = arith.addf %add3A_688, %mul3A_606 : vector<16xf32>
      %mul3A_695 = arith.mulf %mul3A_606, %gather3A_590 : vector<16xf32>
      %add3A_696 = arith.addf %add3A_690, %mul3A_695 : vector<16xf32>
      %mul3A_697 = arith.mulf %gather3A_237, %gather3A_590 : vector<16xf32>
      %add3A_698 = arith.addf %add3A_692, %mul3A_697 : vector<16xf32>
      %mul3A_699 = arith.mulf %add3A_694, %add3A_693 : vector<16xf32>
      %add3A_700 = arith.addf %add3A_698, %mul3A_699 : vector<16xf32>
      %sub3A_701 = arith.subf %add3A_700, %add3A_696 : vector<16xf32>
      %mul3A_702 = arith.constant 16 : i32
      %mul3A_703 = arith.muli %scan3A_490, %mul3A_702 : i32
      %add3A_704 = arith.constant 160 : i32
      %add3A_705 = arith.addi %add3A_704, %mul3A_703 : i32
      %swap3A = arith.index_cast %add3A_705 : i32 to index
      %swap3A_706 = tpu.vector_load %arg7[%swap3A] {strides = array<i32>} : memref<320xf32, #tpu.memory_space<vmem>>, vector<16xf32>,
      tpu.vector_store %arg7[%swap3A], %sub3A_701 {strides = array<i32>} : memref<320xf32, #tpu.memory_space<vmem>>, vector<16xf32>,
    }
    %scan3A_489 = arith.constant 10 : i32
    "tpu.region"() ({
      %run_scoped3A = tpu.sem_alloc : memref<!tpu.dma_semaphore, #tpu.memory_space<semaphore_mem>>
      %dma_start3A_490 = tpu.memref_slice %arg5[%mul3A_2] : memref<10240xf32, #tpu.memory_space<hbm>> -> memref<320xf32, #tpu.memory_space<hbm>>
      %dma_start3A_491 = tpu.memref_slice %arg5[%mul3A_2] : memref<10240xf32, #tpu.memory_space<hbm>> -> memref<320xf32, #tpu.memory_space<hbm>>
      tpu.enqueue_dma source(%arg7 : memref<320xf32, #tpu.memory_space<vmem>>) target(%dma_start3A_491 : memref<320xf32, #tpu.memory_space<hbm>>) target_semaphore(%run_scoped3A : memref<!tpu.dma_semaphore, #tpu.memory_space<semaphore_mem>>)
      %dma_wait3A_492 = tpu.memref_slice %arg5[%mul3A_2] : memref<10240xf32, #tpu.memory_space<hbm>> -> memref<320xf32, #tpu.memory_space<hbm>>
      %dma_wait3A_493 = tpu.memref_slice %arg5[%mul3A_2] : memref<10240xf32, #tpu.memory_space<hbm>> -> memref<320xf32, #tpu.memory_space<hbm>>
      tpu.wait_dma2 semaphore(%run_scoped3A : memref<!tpu.dma_semaphore, #tpu.memory_space<semaphore_mem>>) src(%arg7 : memref<320xf32, #tpu.memory_space<vmem>>) dst(%dma_wait3A_493 : memref<320xf32, #tpu.memory_space<hbm>>)
      tpu.yield
    }) : () -> ()
    return
  }
}

module attributes {stable_mosaic.version = 14 : i64} {
  func.func @_poly_tc_body(%arg0: i32, %arg1: memref<1024x256xf32, #tpu.memory_space<vmem>>, %arg2: memref<256x128xf32, #tpu.memory_space<vmem>>, %arg3: memref<256x128xf32, #tpu.memory_space<vmem>>, %arg4: memref<1x128xf32, #tpu.memory_space<vmem>>, %arg5: memref<1024xf32, #tpu.memory_space<vmem>>) attributes {dimension_semantics = [#tpu.dimension_semantics<arbitrary>], iteration_bounds = array<i64: 6>, scalar_prefetch = 0 : i64, scratch_operands = 0 : i64, tpu.core_type = #tpu.core_type<tc>, window_params = [{transform_indices = @transform_0, window_bounds = array<i64: 1024, 256>}, {pipeline_mode = #tpu.pipeline_mode<synchronous>, transform_indices = @transform_1, window_bounds = array<i64: 256, 128>}, {pipeline_mode = #tpu.pipeline_mode<synchronous>, transform_indices = @transform_2, window_bounds = array<i64: 256, 128>}, {pipeline_mode = #tpu.pipeline_mode<synchronous>, transform_indices = @transform_3, window_bounds = array<i64: 1, 128>}, {transform_indices = @transform_4, window_bounds = array<i64: 1024>}]} {
    %get3A = arith.constant 0 : index
    %get3A_0 = arith.constant 0 : index
    %get3A_1 = vector.load %arg1[%get3A, %get3A_0] : memref<1024x256xf32, #tpu.memory_space<vmem>>, vector<1024x256xf32>
    %get3A_2 = arith.constant 0 : index
    %get3A_3 = arith.constant 0 : index
    %get3A_4 = vector.load %arg2[%get3A_2, %get3A_3] : memref<256x128xf32, #tpu.memory_space<vmem>>, vector<256x128xf32>
    %dot_general3A = arith.constant dense<0.000000e+00> : vector<1024x128xf32>
    %dot_general3A_5 = tpu.matmul %get3A_1, %get3A_4, %dot_general3A {dimension_numbers = #tpu.dot_dimension_numbers<[1], [0], [0], [1], [0, 0, 1, 1], [], []>, transpose_lhs_hint = false} : vector<1024x256xf32>, vector<256x128xf32>, vector<1024x128xf32> -> vector<1024x128xf32>
    %get3A_6 = arith.constant 0 : index
    %get3A_7 = arith.constant 0 : index
    %get3A_8 = vector.load %arg3[%get3A_6, %get3A_7] : memref<256x128xf32, #tpu.memory_space<vmem>>, vector<256x128xf32>
    %dot_general3A_9 = arith.constant dense<0.000000e+00> : vector<1024x128xf32>
    %dot_general3A_10 = tpu.matmul %get3A_1, %get3A_8, %dot_general3A_9 {dimension_numbers = #tpu.dot_dimension_numbers<[1], [0], [0], [1], [0, 0, 1, 1], [], []>, transpose_lhs_hint = false} : vector<1024x256xf32>, vector<256x128xf32>, vector<1024x128xf32> -> vector<1024x128xf32>
    %get3A_11 = arith.constant 0 : index
    %get3A_12 = arith.constant 0 : index
    %get3A_13 = vector.load %arg4[%get3A_11, %get3A_12] : memref<1x128xf32, #tpu.memory_space<vmem>>, vector<1x128xf32>
    %add3A = vector.broadcast %get3A_13 : vector<1x128xf32> to vector<1024x128xf32>
    %add3A_14 = arith.addf %dot_general3A_10, %add3A : vector<1024x128xf32>
    %mul3A = arith.mulf %dot_general3A_5, %add3A_14 : vector<1024x128xf32>
    %reduce_sum3A = arith.constant dense<0.000000e+00> : vector<1024xf32>
    %reduce_sum3A_15 = vector.multi_reduction <add>, %mul3A, %reduce_sum3A [1] : vector<1024x128xf32> to vector<1024xf32>
    %swap3A = arith.constant 0 : index
    %swap3A_16 = vector.load %arg5[%swap3A] : memref<1024xf32, #tpu.memory_space<vmem>>, vector<1024xf32>
    tpu.vector_store %arg5[%swap3A], %reduce_sum3A_15 {strides = array<i32>} : memref<1024xf32, #tpu.memory_space<vmem>>, vector<1024xf32>,
    return
  }
  func.func @transform_0(%arg0: i32) -> (i32, i32) {
    %add3A = arith.constant 10 : i32
    %add3A_0 = arith.addi %arg0, %add3A : i32
    %c0_i32 = arith.constant 0 : i32
    %c0_i32_1 = arith.constant 0 : i32
    return %add3A_0, %c0_i32 : i32, i32
  }
  func.func @transform_1(%arg0: i32) -> (i32, i32) {
    %c0_i32 = arith.constant 0 : i32
    %c0_i32_0 = arith.constant 0 : i32
    %c0_i32_1 = arith.constant 0 : i32
    return %c0_i32, %c0_i32_0 : i32, i32
  }
  func.func @transform_2(%arg0: i32) -> (i32, i32) {
    %c0_i32 = arith.constant 0 : i32
    %c0_i32_0 = arith.constant 0 : i32
    %c0_i32_1 = arith.constant 0 : i32
    return %c0_i32, %c0_i32_0 : i32, i32
  }
  func.func @transform_3(%arg0: i32) -> (i32, i32) {
    %c0_i32 = arith.constant 0 : i32
    %c0_i32_0 = arith.constant 0 : i32
    %c0_i32_1 = arith.constant 0 : i32
    return %c0_i32, %c0_i32_0 : i32, i32
  }
  func.func @transform_4(%arg0: i32) -> i32 {
    %c0_i32 = arith.constant 0 : i32
    return %arg0 : i32
  }
}

</mosaic_0001>

<sc_bundles>
// kernel: kernel.4.cloned.1.call-start
scs
__scs_entry_jumppad:
0x0: {  	(pc) =	sbr.rel $0x88, $3  }
0x1: {  	(tag) =	ssettag $0x0;
	lr =	simm.s32 $0x1  }
0x2: {  	[smem:$0x3F9E] =	sst lr;
	_ =	strace $0xD0000000  }
0x3: {  	_ = 	snop  }
0x4: {  	_ = 	snop  }
0x5: {  	_ = 	snop  }
0x6: {  	_ = 	snop  }
0x7: {  	_ = 	snop  }
__scs_overlays_trampoline_lowered:
0x8: {  	[smem:$0x3FAD] =	sst s0  }
0x9: {  	[smem:$0x3FAE] =	sst s1  }
0xa: {  	[smem:$0x3FAF] =	sst s2  }
0xb: {  	[smem:$0x3FB0] =	sst s3  }
0xc: {  	[smem:$0x3FB1] =	sst s4  }
0xd: {  	[smem:$0x3FB2] =	sst s5  }
0xe: {  	[smem:$0x3FB3] =	sst s6  }
0xf: {  	[smem:$0x3FB4] =	sst s7  }
0x10: {  	[smem:$0x3FB5] =	sst s8  }
0x11: {  	[smem:$0x3FB6] =	sst s9;
	s0 =	simm.s32 @!p0 $0x0  }
0x12: {  	s1 =	sld [smem:$0x3F9C];
	s0 =	simm.s32 @p0 $0x1  }
0x13: {  	[smem:$0x3FB7] =	sst s0;
	s0 =	simm.s32 @!p1 $0x0  }
0x14: {  	s2 =	sld [smem:$0x3F9B];
	s0 =	simm.s32 @p1 $0x1  }
0x15: {  	[smem:$0x3FB8] =	sst s0;
	s0 =	simm.s32 @!p2 $0x0  }
0x16: {  	s3 =	sld [smem:$0x3FDB];
	s0 =	simm.s32 @p2 $0x1  }
0x17: {  	s4 =	simm.s32 $0x1BF5;
	[smem:$0x3FBA] =	sst s0  }
0x18: {  	s0 =	sld [smem:$0x3F9D];
	_ =	swait.ge [sflag:s4], $0x0  }
0x19: {  	s7 =	sld [smem:$0x3F9E]  }
0x1a: {  	s8 =	sadd.s32 $0xFFFFE003, lr  }
0x1b: {  	s9 =	sadd.s32 $0xFFFFFEF7, lr;
	s5 =	simm.s32 $0xFFFFFFFF;
	p2 =	slt.u32 s8, $0xFFFFF086  }
0x1c: {  	p1 =	slt.u32 s9, $0xF7A;
	s5 =	simm.s32 @!p2 $0x0  }
0x1d: {  	s5 =	simm.s32 @p1 $0x1;
	p0 =	seq.s32 s7, s2  }
0x1e: {  	s7 =	smul.u32 @!p0 $0xF7A, s2;
	p2 =	seq.s32 @!p0 s5, $0x0  }
0x1f: {  	s9 =	smul.u32 $0xF7A, s1;
	s8 =	simm.s32 @!p0 $0x1BF5;
	p2 =	por !p2, p0  }
0x20: {  	[sflag:s8] =	ssyncset.s32 @!p0 $0xFFFFF086;
	s6 =	sadd.s32 @!p0 s3, s7;
	s7 =	simm.s32 @!p0 $0x108  }
0x21: {  	s3 =	sadd.s32 s3, s9;
	s6 =	sadd.s32 @!p0 $0x88, s6;
	s7 =	simm.s32 @p2 $0x1082  }
0x22: {  	[simem:s7], [sflag:s8] =	dma.local @!p0 [hbm:s6], $0xF7A  }
0x23: {  	s9 =	sor.u32 $0xD0000000, s2;
	s6 =	simm.s32 $0x108;
	_ =	swait.ge @!p0 [sflag:s8], $0x0  }
0x24: {  	s3 =	sadd.s32 $0x88, s3;
	s6 =	simm.s32 @!p1 $0x1082;
	[sflag:s4] =	ssyncset.s32 $0xFFFFF086  }
0x25: {  	[simem:s6], [sflag:s4] =	dma.local [hbm:s3], $0xF7A  }
0x26: {  	[smem:$0x3F9E] =	sst s1;
	(tag) =	ssettag s2;
	_ =	strace s9  }
0x27: {  	s1 =	sld [smem:$0x3FAE]  }
0x28: {  	s2 =	sld [smem:$0x3FAF]  }
0x29: {  	s4 =	sld [smem:$0x3FB1]  }
0x2a: {  	p0 =	seq.s32 s5, $0x0;
	s5 =	sld [smem:$0x3FB2]  }
0x2b: {  	s6 =	sld [smem:$0x3FB3]  }
0x2c: {  	s7 =	sld [smem:$0x3FB4]  }
0x2d: {  	s3 =	simm.s32 $0x108;
	s8 =	sld [smem:$0x3FB5]  }
0x2e: {  	s3 =	simm.s32 @!p0 $0x1082;
	s9 =	sld [smem:$0x3FB6]  }
0x2f: {  	lr =	sadd.s32 s0, s3;
	s0 =	sld [smem:$0x3FAD]  }
0x30: {  	s3 =	sld [smem:$0x3FB0]  }
0x31: {  	[smem:$0x3FB9] =	sst s10  }
0x32: {  	s10 =	sld [smem:$0x3FB7];
	_ =	sdelay $0x3  }
0x33: {  	p0 =	seq.s32 s10, $0x1;
	s10 =	sld [smem:$0x3FB9];
	_ =	sdelay $0x3  }
0x34: {  	[smem:$0x3FB9] =	sst s10  }
0x35: {  	s10 =	sld [smem:$0x3FB8];
	_ =	sdelay $0x3  }
0x36: {  	p1 =	seq.s32 s10, $0x1;
	s10 =	sld [smem:$0x3FB9];
	_ =	sdelay $0x3  }
0x37: {  	[smem:$0x3FB9] =	sst s10  }
0x38: {  	s10 =	sld [smem:$0x3FBA]  }
0x39: {  	_ = 	snop;
	(pc) =	sbr.ind lr, $3  }
0x3a: {  	_ = 	snop  }
0x3b: {  	_ = 	snop  }
0x3c: {  	p2 =	seq.s32 s10, $0x1;
	s10 =	sld [smem:$0x3FB9]  }
0x3d: {  	_ =	shalt  }
0x3e: {  	_ =	shalt  }
0x3f: {  	_ =	shalt  }
0x40: {  	_ =	shalt  }
0x41: {  	_ =	shalt  }
0x42: {  	_ =	shalt  }
0x43: {  	_ =	shalt  }
0x44: {  	_ =	shalt  }
0x45: {  	_ =	shalt  }
0x46: {  	_ =	shalt  }
0x47: {  	_ =	shalt  }
0x48: {  	_ =	shalt  }
0x49: {  	_ =	shalt  }
0x4a: {  	_ =	shalt  }
0x4b: {  	_ =	shalt  }
0x4c: {  	_ =	shalt  }
0x4d: {  	_ =	shalt  }
0x4e: {  	_ =	shalt  }
0x4f: {  	_ =	shalt  }
0x50: {  	_ =	shalt  }
0x51: {  	_ =	shalt  }
0x52: {  	_ =	shalt  }
0x53: {  	_ =	shalt  }
0x54: {  	_ =	shalt  }
0x55: {  	_ =	shalt  }
0x56: {  	_ =	shalt  }
0x57: {  	_ =	shalt  }
0x58: {  	_ =	shalt  }
0x59: {  	_ =	shalt  }
0x5a: {  	_ =	shalt  }
0x5b: {  	_ =	shalt  }
0x5c: {  	_ =	shalt  }
0x5d: {  	_ =	shalt  }
0x5e: {  	_ =	shalt  }
0x5f: {  	_ =	shalt  }
0x60: {  	_ =	shalt  }
0x61: {  	_ =	shalt  }
0x62: {  	_ =	shalt  }
0x63: {  	_ =	shalt  }
0x64: {  	_ =	shalt  }
0x65: {  	_ =	shalt  }
0x66: {  	_ =	shalt  }
0x67: {  	_ =	shalt  }
0x68: {  	_ =	shalt  }
0x69: {  	_ =	shalt  }
0x6a: {  	_ =	shalt  }
0x6b: {  	_ =	shalt  }
0x6c: {  	_ =	shalt  }
0x6d: {  	_ =	shalt  }
0x6e: {  	_ =	shalt  }
0x6f: {  	_ =	shalt  }
0x70: {  	_ =	shalt  }
0x71: {  	_ =	shalt  }
0x72: {  	_ =	shalt  }
0x73: {  	_ =	shalt  }
0x74: {  	_ =	shalt  }
0x75: {  	_ =	shalt  }
0x76: {  	_ =	shalt  }
0x77: {  	_ =	shalt  }
0x78: {  	_ =	shalt  }
0x79: {  	_ =	shalt  }
0x7a: {  	_ =	shalt  }
0x7b: {  	_ =	shalt  }
0x7c: {  	_ =	shalt  }
0x7d: {  	_ =	shalt  }
0x7e: {  	_ =	shalt  }
0x7f: {  	_ =	shalt  }
0x80: {  	_ =	shalt  }
0x81: {  	_ =	shalt  }
0x82: {  	_ =	shalt  }
0x83: {  	_ =	shalt  }
0x84: {  	_ =	shalt  }
0x85: {  	_ =	shalt  }
0x86: {  	_ =	shalt  }
0x87: {  	_ =	shalt  }
.Lfunc_end0:
.L_simem_size_0:
called_computation_lowered:
.L_overlay_start_0:
0x88: {  	s2 =	sld [smem:$0x3FD9]  }
0x89: {  	s3 =	sld [smem:$0x3FFE];
	_ =	sdelay $0x1  }
0x8a: {  	s1 =	srdreg.scid  }
0x8b: {  	s0 =	sand.u32 $0x1, s1  }
0x8c: {  	s17 =	sshll.u32 s0, $0xA;
	s2 =	sadd.s32 s3, s2  }
0x8d: {  	s2 =	sadd.s32 s2, s17  }
0x8e: {  	[smem:$0x3FC5] =	sst s2  }
0x8f: {  	_ = 	snop  }
0x90: {  	s2 =	sld [smem:$0x3FC9]  }
0x91: {  	s18 =	sld [smem:$0x3FC8]  }
0x92: {  	s4 =	sld [smem:$0x3FC7];
	(tm) =	ssettm $0x1  }
0x93: {  	s5 =	sld [smem:$0x3FFB];
	_ =	sdelay $0x3  }
0x94: {  	_ =	strace s5  }
0x95: {  	s5 =	sld [smem:$0x3FFC];
	_ =	sdelay $0x3  }
0x96: {  	_ =	strace s5  }
0x97: {  	s5 =	sld [smem:$0x3FFD];
	_ =	sdelay $0x3  }
0x98: {  	_ =	strace s5  }
0x99: {  	_ =	strace $0x8FFFFFFF  }
0x9a: {  	s19 =	sld [smem:$0x3FDB];
	_ =	sdelay $0x1  }
0x9b: {  	s6 =	simm.s32 $_scs_section_size  }
0x9c: {  	s7 =	simm.s32 $_size__tile_overlayer_lowered;
	s8 =	simm.s32 $_tile_overlayer_lowered  }
0x9d: {  	s22 =	simm.s32 $0x1BFF;
	s21 =	sshll.u32 s8, $0x1;
	s5 =	sadd.s32 s6, s19  }
0x9e: {  	s9 =	simm.s32 $0x0;
	s20 =	sshll.u32 s7, $0x1;
	s7 =	sadd.s32 s21, s5  }
0x9f: {  	[timem:s9], [sflag:s22] =	dma.local [hbm:s7], s20  }
0xa0: {  	_ =	swait.ge [sflag:s22], s20  }
0xa1: {  	s6 =	ssub.s32 $0x0, s20;
	[sflag:s22] =	ssyncset.done $0x0  }
0xa2: {  	[sflag:s22] =	ssyncadd.s32 s6;
	_ =	sdelay $0x1  }
0xa3: {  	s23 =	simm.s32 $0x1B8B  }
0xa4: {  	_ =	swait.ge [sflag:s23], $0x1  }
0xa5: {  	[sflag:s23] =	ssyncset.done $0x0  }
0xa6: {  	s25 =	simm.s32 $0x1B8E;
	s24 =	sld [smem:$0x3FFE];
	[sflag:s23] =	ssyncadd.s32 $0xFFFFFFFF  }
0xa7: {  	s26 =	simm.s32 $execute0_lowered;
	[smem:$0x3FD2] =	sst s25  }
0xa8: {  	s7 =	sshll.u32 s26, $0x1;
	_ =	strace $0x80000046;
	[dreg:$0x1] =	wrdreg $0xFFFFFFFF  }
0xa9: {  	s28 =	simm.s32 $_size_execute0_lowered;
	s5 =	sadd.s32 s5, s7;
	[dreg:$0x0] =	wrdreg $0x0  }
0xaa: {  	s7 =	sshll.u32 s28, $0x1;
	[dreg:$0x2] =	wrdreg s5  }
0xab: {  	[dreg:$0x3] =	wrdreg s7  }
0xac: {  	[dreg:$0x4] =	wrdreg $0xC0  }
0xad: {  	_ =	task [dreg:s9], $0x5FFFF  }
0xae: {  	[dreg:$0x1] =	wrdreg $0xFFFFFFFF  }
0xaf: {  	[dreg:$0x0] =	wrdreg $0x60  }
0xb0: {  	[dreg:$0x2] =	wrdreg s2  }
0xb1: {  	[dreg:$0x3] =	wrdreg s18  }
0xb2: {  	[dreg:$0x4] =	wrdreg s4  }
0xb3: {  	[dreg:$0x5] =	wrdreg s24  }
0xb4: {  	[dreg:$0x6] =	wrdreg $0x9  }
0xb5: {  	_ =	task.clear_ibuf [dreg:s9], $0x7FFFF;
	_ =	strace $0x90000046  }
0xb6: {  	s29 =	simm.s32 $0x9;
	_ =	strace $0x80000048  }
0xb7: {  	_ =	swait.ge [sflag:s29], $0x1  }
0xb8: {  	[sflag:s29] =	ssyncadd.s32 $0xFFFFFFFF  }
0xb9: {  	_ =	strace $0x90000048  }
0xba: {  	_ =	sfence  }
0xbb: {  	s30 =	sld [smem:$0x0];
	_ =	sdelay $0x2  }
0xbc: {  	s31 =	sshll.u32 s1, $0xD;
	s1 =	sshrl.u32 s1, $0x2  }
0xbd: {  	s3 =	sand.u32 $0x4000, s31;
	s1 =	sadd.s32 s1, s30  }
0xbe: {  	s0 =	sor.u32 s3, s0;
	s1 =	sshll.u32 s1, $0x11  }
0xbf: {  	s0 =	sor.u32 s1, s0  }
0xc0: {  	s0 =	sadd.s32 $0x8F2B, s0  }
0xc1: {  	[sflag:s0] =	ssyncadd.remote.s32 $0x1  }
0xc2: {  	_ =	sfence.sel $0xFFFF  }
0xc3: {  	[dreg:$0x0] =	wrdreg $0xFFFFFFFF;
	(pc) =	sbr.abs _section_cstart, $3  }
0xc4: {  	[dreg:$0x1] =	wrdreg $0xFFFFFFFF  }
0xc5: {  	_ =	task.clear_ibuf [dreg:s9], $0x2FFFF;
	_ =	strace $0x9FFFFFFF  }
0xc6: {  	(tm) =	ssettm $0x7FFFFFFF  }
0xc7: {  	_ =	shalt  }
tec
execute0_lowered:
.L_overlay_start_1:
0x0: {  	(tag) =	ssettag $0x1  }
0x1: {  	s5 =	rddreg [dreg:$0x0]  }
0x2: {  	s1 =	rddreg [dreg:$0x1]  }
0x3: {  	s2 =	rddreg [dreg:$0x2]  }
0x4: {  	v0 =	vlaneseq.u32;
	s6 =	rddreg [dreg:$0x3];
	s4 =	simm.s32 $0x0  }
0x5: {  	s3 =	srdreg.scid;
	[smem:$0x7FF] =	sst s4;
	v1 =	vand.u32 $0x7, v0;
	v2 =	vor.u32 $0x80, v0;
	v0 =	vmul.u32 $0x100, v0  }
0x6: {  	s7 =	sand.u32 $0x1, s3;
	s3 =	rddreg [dreg:$0x4];
	_ =	strace $0x80000047;
	v1 =	vmul.u32 $0x80, v1;
	[tilespmem:$0x1FF30] =	vst v2  }
0x7: {  	[tilespmem:$0x1FF40] =	vst v0  }
0x8: {  	v58 =	vor.u32 $0x3, v1;
	[tilespmem:$0x1FFB0] =	vst v1  }
0x9: {  	s0 =	stileid.u32;
	v59 =	vor.u32 $0x11, v1;
	[tilespmem:$0x1FF50] =	vst v58  }
0xa: {  	s8 =	sshll.u32 s0, $0x1;
	v60 =	vor.u32 $0x1F, v1;
	[tilespmem:$0x1FF60] =	vst v59  }
0xb: {  	s8 =	sor.u32 s7, s8;
	v61 =	vor.u32 $0x2D, v1;
	[tilespmem:$0x1FF70] =	vst v60  }
0xc: {  	s12 =	simm.s32 $0xA000;
	s13 =	simm.s32 $0x1;
	s9 =	smul.u32 $0x14000, s8;
	v62 =	vor.u32 $0x3C, v1;
	[tilespmem:$0x1FF80] =	vst v61  }
0xd: {  	s14 =	simm.s32 $0x2;
	s7 =	ssub.s32 $0x2, s7;
	s10 =	smul.u32 $0x28, s8;
	v63 =	vor.u32 $0x4D, v1;
	[tilespmem:$0x1FF90] =	vst v62  }
0xe: {  	s15 =	simm.s32 $0x14000;
	s11 =	sshrl.u32 s7, $0x1;
	s8 =	smul.u32 $0x2800, s8;
	v26 =	vor.u32 $0x78, v1;
	[tilespmem:$0x1FFA0] =	vst v63  }
0xf: {  	s16 =	simm.s32 $0x0;
	s11 =	ssub.s32 s7, s11;
	v28 =	vor.u32 $0x69, v1;
	s9 =	sshrl.u32 s9, $0x3;
	[tilespmem:$0x1FFC0] =	vst v26  }
0x10: {  	v29 =	vor.u32 $0x40A, v1;
	s10 =	sadd.s32 s10, s6;
	[tilespmem:$0x1FFD0] =	vst v28;
	s31 =	sadd.s32 s5, s9;
	s5 =	sadd.s32 s5, s8  }
0x11: {  	v27 =	vor.u32 $0x5C, v1;
	[tilespmem:$0x1FFE0] =	vst v29;
	s7 =	sadd.s32 $0xE00, s10;
	s8 =	smax.u32 s11, $0x1;
	s9 =	simm.s32 $0x14180  }
0x12: {  	[tilespmem:$0x1FFF0] =	vst v27;
	s10 =	simm.s32 $0x3;
	s11 =	simm.s32 $0x14200;
	s6 =	sadd.s32 $0x1400, s31  }
.LBB2_1:
0x13: {  	[tilespmem:s9], [sflag:$0x3] =	stream.linear.gather [hbm4b:s1+s4], $0x80, $0x38;
	[tilespmem:$0x14A00] =	vst v63  }
0x14: {  	_ =	swait.ge [sflag:s10], $0x80  }
0x15: {  	[sflag:s10] =	ssyncset.done $0x0  }
0x16: {  	[sflag:s10] =	ssyncadd.s32 $0xFFFFFF80  }
0x17: {  	v0 =	vlaneseq.u32;
	[tilespmem:s11], [sflag:$0x3] =	stream.linear.gather [hbm4b:s2+s4], $0x800, $0x38;
	[tilespmem:$0x14A00] =	vst v63  }
0x18: {  	_ =	swait.ge [sflag:s10], $0x800  }
0x19: {  	[sflag:s10] =	ssyncset.done $0x0  }
0x1a: {  	[sflag:s10] =	ssyncadd.s32 $0xFFFFF800  }
0x1b: {  	[tilespmem:s4], [sflag:$0x1] =	stream.linear.gather [hbm4b:s5+s4], $0xA000, $0x38;
	[tilespmem:$0x14A00] =	vst v63  }
0x1c: {  	v1 =	vld.idx.msk [tilespmem:v0+s11+$0x0], $0xffff  }
0x1d: {  	v2 =	vld.idx.msk [tilespmem:v0+s9+$0x0], $0xffff  }
0x1e: {  	v0 =	vld [tilespmem:$0x1FF30];
	_ =	sdelay $0x7  }
0x1f: {  	v4 =	vld.idx.msk [tilespmem:v0+s11+$0x0], $0xffff;
	_ =	sdelay $0x1  }
0x20: {  	v3 =	vimm.s32 $0x1;
	v7 =	vimm.s32 $0x2  }
0x21: {  	v5 =	vperm.xlane v1, v3;
	v6 =	vperm.xlane v1, v7;
	_ =	sdelay $0x1  }
0x22: {  	v46 =	vperm.xlane v2, v7;
	v4 =	vperm.xlane v4, v7;
	v7 =	vadd.f32 v6, v5  }
0x23: {  	v0 =	vimm.s32 $0x0  }
0x24: {  	v50 =	vperm.xlane v2, v0;
	v0 =	vimm.s32 $0x3;
	v4 =	vsub.f32 v7, v4  }
0x25: {  	v44 =	vperm.xlane v2, v0;
	v7 =	vmov s4  }
0x26: {  	v53 =	vmul.f32 $5.000000000e-01, v4;
	v4 =	vshll.u32 v7, $0x8;
	v7 =	vperm.xlane v1, v0;
	v0 =	vld [tilespmem:$0x1FF40]  }
0x27: {  	v9 =	vimm.s32 $0x5;
	v10 =	vimm.s32 $0x6  }
0x28: {  	v13 =	vimm.s32 $0x9;
	v49 =	vperm.xlane v2, v3;
	v3 =	vimm.s32 $0x4  }
0x29: {  	v41 =	vperm.xlane v2, v3;
	v55 =	vsub.f32 v5, v53;
	v5 =	vperm.xlane v1, v3;
	v3 =	vld [tilespmem:$0x1FF60]  }
0x2a: {  	v39 =	vperm.xlane v2, v9;
	v54 =	vsub.f32 v6, v53;
	v6 =	vperm.xlane v1, v9  }
0x2b: {  	v51 =	vsub.f32 v7, v53;
	v9 =	vperm.xlane v1, v10;
	v4 =	vor.u32 v0, v4  }
0x2c: {  	[tilespmem:s12], [sflag:$0x2] =	stream.linear.gather [hbm4b:s6+s4], $0xA000, $0x38;
	v47 =	vsub.f32 v6, v53;
	v0 =	vimm.s32 $0xB;
	v8 =	vand.u32 $0xF800, v4;
	v4 =	vld [tilespmem:$0x1FF50]  }
0x2d: {  	v48 =	vsub.f32 v9, v53;
	v6 =	vperm.xlane v1, v13;
	v30 =	vperm.xlane v2, v0;
	_ =	swait.ge [sflag:s13], $0xA000  }
0x2e: {  	v9 =	vperm.xlane v1, v0;
	v0 =	vimm.s32 $0xC;
	v7 =	vor.u32 v3, v8;
	v3 =	vld [tilespmem:$0x1FF70]  }
0x2f: {  	v43 =	vsub.f32 v6, v53;
	v6 =	vperm.xlane v1, v0;
	v34 =	vperm.xlane v2, v0;
	v0 =	vld [tilespmem:$0x1FF90]  }
0x30: {  	v32 =	vperm.xlane v2, v13;
	v13 =	vld [tilespmem:$0x1FFA0]  }
0x31: {  	v11 =	vimm.s32 $0x7;
	v4 =	vor.u32 v4, v8  }
0x32: {  	v12 =	vimm.s32 $0x8;
	v37 =	vperm.xlane v2, v10;
	v35 =	vperm.xlane v2, v11  }
0x33: {  	v10 =	vperm.xlane v1, v11;
	v52 =	vsub.f32 v5, v53;
	[sflag:s13] =	ssyncset.done $0x0;
	v11 =	vor.u32 v3, v8;
	v3 =	vld [tilespmem:$0x1FF80]  }
0x34: {  	v5 =	vperm.xlane v1, v12;
	[sflag:s13] =	ssyncadd.s32 $0xFFFF6000;
	v38 =	vsub.f32 v9, v53;
	v9 =	vor.u32 v0, v8;
	v0 =	vld [tilespmem:$0x1FFB0]  }
0x35: {  	v14 =	vimm.s32 $0xA;
	v7 =	vld.idx.msk [tilespmem:v7+s4+$0x0], $0xffff;
	v58 =	vor.u32 v13, v8  }
0x36: {  	v42 =	vsub.f32 v5, v53;
	v5 =	vperm.xlane v1, v14;
	v4 =	vld.idx.msk [tilespmem:v4+s4+$0x0], $0xffff  }
0x37: {  	v33 =	vperm.xlane v2, v12;
	v31 =	vperm.xlane v2, v14;
	v45 =	vsub.f32 v10, v53  }
0x38: {  	v23 =	vor.u32 v28, v8;
	v40 =	vsub.f32 v5, v53;
	v10 =	vor.u32 v3, v8;
	v5 =	vld.idx.msk [tilespmem:v11+s4+$0x0], $0xffff  }
0x39: {  	v36 =	vsub.f32 v6, v53;
	v3 =	vimm.s32 $0xD;
	v56 =	vor.u32 $0x469, v0;
	v9 =	vld.idx.msk [tilespmem:v9+s4+$0x0], $0xffff  }
0x3a: {  	v57 =	vor.u32 $0x456, v0;
	v62 =	vmul.f32 v7, v55;
	v13 =	vmul.f32 v7, v49;
	v58 =	vld.idx.msk [tilespmem:v58+s4+$0x0], $0xffff  }
0x3b: {  	v59 =	vor.u32 $0x427, v0;
	v6 =	vperm.xlane v1, v3;
	v12 =	vmul.f32 v4, v53  }
0x3c: {  	v60 =	vmul.f32 v4, v50;
	v63 =	vadd.f32 v7, v4;
	v7 =	vmul.f32 v62, v7  }
0x3d: {  	v61 =	vor.u32 $0x417, v0;
	v10 =	vld.idx.msk [tilespmem:v10+s4+$0x0], $0xffff;
	v15 =	vmul.f32 v5, v54;
	v18 =	vmul.f32 v5, v46  }
0x3e: {  	v11 =	vor.u32 v27, v8;
	v20 =	vmul.f32 v9, v41;
	v21 =	vmul.f32 v9, v52  }
0x3f: {  	v22 =	vmul.f32 v58, v47;
	v4 =	vmul.f32 v12, v4;
	v13 =	vadd.f32 v13, v60  }
0x40: {  	v12 =	vadd.f32 v62, v12;
	v63 =	vadd.f32 v5, v63;
	v62 =	vld.idx.msk [tilespmem:v23+s4+$0x0], $0xffff;
	v23 =	vor.u32 v59, v8  }
0x41: {  	v5 =	vmul.f32 v15, v5;
	v4 =	vadd.f32 v7, v4;
	v13 =	vadd.f32 v18, v13  }
0x42: {  	v12 =	vadd.f32 v15, v12;
	v19 =	vmul.f32 v10, v44;
	v15 =	vmul.f32 v10, v51  }
0x43: {  	v11 =	vld.idx.msk [tilespmem:v11+s4+$0x0], $0xffff;
	v7 =	vor.u32 v26, v8;
	v4 =	vadd.f32 v5, v4;
	v63 =	vadd.f32 v10, v63  }
0x44: {  	v5 =	vor.u32 v29, v8;
	v13 =	vadd.f32 v19, v13;
	v10 =	vmul.f32 v15, v10  }
0x45: {  	v18 =	vmul.f32 v62, v45;
	v12 =	vadd.f32 v15, v12;
	v63 =	vadd.f32 v9, v63  }
0x46: {  	v13 =	vadd.f32 v20, v13;
	v4 =	vadd.f32 v10, v4;
	v10 =	vmul.f32 v58, v39  }
0x47: {  	v9 =	vmul.f32 v21, v9;
	v12 =	vadd.f32 v21, v12;
	v63 =	vadd.f32 v58, v63  }
0x48: {  	v7 =	vld.idx.msk [tilespmem:v7+s4+$0x0], $0xffff;
	v58 =	vmul.f32 v22, v58;
	v10 =	vadd.f32 v10, v13;
	v13 =	vmul.f32 v11, v37  }
0x49: {  	v4 =	vadd.f32 v9, v4;
	v9 =	vmul.f32 v11, v48;
	v12 =	vadd.f32 v22, v12  }
0x4a: {  	v15 =	vor.u32 v61, v8;
	v63 =	vadd.f32 v11, v63;
	v10 =	vadd.f32 v13, v10  }
0x4b: {  	v16 =	vld.idx.msk [tilespmem:v5+s4+$0x0], $0xffff;
	v13 =	vmul.f32 v62, v35;
	v11 =	vmul.f32 v9, v11;
	v5 =	vadd.f32 v58, v4  }
0x4c: {  	v9 =	vadd.f32 v9, v12;
	v4 =	vor.u32 $0x434, v0;
	v12 =	vadd.f32 v62, v63  }
0x4d: {  	v58 =	vmul.f32 v18, v62;
	v19 =	vmul.f32 v7, v33;
	v10 =	vadd.f32 v13, v10  }
0x4e: {  	v13 =	vmul.f32 v7, v42;
	v11 =	vadd.f32 v11, v5;
	v5 =	vadd.f32 v18, v9  }
0x4f: {  	v15 =	vld.idx.msk [tilespmem:v15+s4+$0x0], $0xffff;
	v62 =	vsub.f32 v6, v53;
	v9 =	vor.u32 v4, v8;
	v12 =	vadd.f32 v7, v12  }
0x50: {  	v21 =	vmul.f32 v16, v43;
	v22 =	vmul.f32 v16, v32;
	v20 =	vadd.f32 v13, v5  }
0x51: {  	v7 =	vmul.f32 v13, v7;
	v5 =	vor.u32 $0x447, v0;
	v11 =	vadd.f32 v58, v11  }
0x52: {  	v13 =	vld.idx.msk [tilespmem:v23+s4+$0x0], $0xffff;
	v12 =	vadd.f32 v16, v12;
	v10 =	vadd.f32 v19, v10;
	v16 =	vmul.f32 v21, v16  }
0x53: {  	v0 =	vimm.s32 $0xE;
	v23 =	vor.u32 v5, v8;
	v7 =	vadd.f32 v7, v11  }
0x54: {  	v58 =	vadd.f32 v21, v20;
	v11 =	vmul.f32 v15, v40;
	v10 =	vadd.f32 v22, v10  }
0x55: {  	v20 =	vor.u32 v57, v8;
	v12 =	vadd.f32 v15, v12;
	v9 =	vld.idx.msk [tilespmem:v9+s4+$0x0], $0xffff;
	v7 =	vadd.f32 v16, v7  }
0x56: {  	v58 =	vadd.f32 v11, v58;
	v11 =	vmul.f32 v11, v15;
	v15 =	vmul.f32 v15, v31  }
0x57: {  	v60 =	vperm.xlane v2, v0;
	v21 =	vmul.f32 v13, v38;
	v12 =	vadd.f32 v13, v12  }
0x58: {  	v8 =	vor.u32 v56, v8;
	v17 =	vld.idx.msk [tilespmem:v23+s4+$0x0], $0xffff;
	v10 =	vadd.f32 v15, v10;
	v7 =	vadd.f32 v11, v7  }
0x59: {  	v22 =	vadd.f32 v21, v58;
	v16 =	vmul.f32 v21, v13;
	v13 =	vmul.f32 v13, v30  }
0x5a: {  	v58 =	vperm.xlane v2, v3;
	v15 =	vmul.f32 v9, v36;
	v6 =	vadd.f32 v9, v12  }
0x5b: {  	v11 =	vld.idx.msk [tilespmem:v20+s4+$0x0], $0xffff;
	v10 =	vadd.f32 v13, v10;
	v13 =	vmul.f32 v9, v34;
	v7 =	vadd.f32 v16, v7  }
0x5c: {  	v12 =	vadd.f32 v15, v22;
	v9 =	vmul.f32 v15, v9;
	v15 =	vperm.xlane v1, v0  }
0x5d: {  	v23 =	vld.idx.msk [tilespmem:v8+s4+$0x0], $0xffff;
	v0 =	vimm.s32 $0xF;
	v8 =	vadd.f32 v13, v10;
	v10 =	vmul.f32 v17, v62  }
0x5e: {  	v1 =	vperm.xlane v1, v0;
	v6 =	vadd.f32 v17, v6;
	v63 =	vsub.f32 v15, v53  }
0x5f: {  	v13 =	vmul.f32 v17, v58;
	v7 =	vadd.f32 v9, v7;
	v12 =	vadd.f32 v10, v12  }
0x60: {  	v10 =	vmul.f32 v10, v17;
	v1 =	vsub.f32 v1, v53;
	v9 =	vmul.f32 v11, v63  }
0x61: {  	v6 =	vadd.f32 v11, v6;
	v8 =	vadd.f32 v13, v8;
	v13 =	vmul.f32 v11, v60  }
0x62: {  	v15 =	vmul.f32 v9, v11;
	v9 =	vadd.f32 v9, v12;
	v11 =	vmul.f32 v23, v1  }
0x63: {  	v2 =	vperm.xlane v2, v0;
	v8 =	vadd.f32 v13, v8;
	v12 =	vadd.f32 v10, v7  }
0x64: {  	s17 =	simm.s32 $0x10;
	v6 =	vadd.f32 v23, v6;
	v10 =	vadd.f32 v11, v9;
	v7 =	vmul.f32 v11, v23  }
0x65: {  	s19 =	simm.s32 $0x20;
	s18 =	simm.s32 $0x14000;
	v11 =	vmul.f32 v23, v2;
	v9 =	vadd.f32 v15, v12;
	v12 =	vmov s17;
	s17 =	simm.s32 $0x14000  }
.LBB2_2:
0x66: {  	v0 =	vld [tilespmem:$0x1FF40];
	_ =	sdelay $0x3  }
0x67: {  	v12 =	vshll.u32 v12, $0x8  }
0x68: {  	v6 =	vmul.f32 v10, v6;
	v10 =	vor.u32 v0, v12;
	v0 =	vld [tilespmem:$0x1FF50];
	_ =	sdelay $0x2  }
0x69: {  	v8 =	vadd.f32 v11, v8  }
0x6a: {  	v7 =	vadd.f32 v7, v9;
	v9 =	vand.u32 $0xF800, v10  }
0x6b: {  	v6 =	vadd.f32 v6, v8;
	v8 =	vor.u32 v0, v9;
	v0 =	vld [tilespmem:$0x1FF60];
	_ =	sdelay $0x4  }
0x6c: {  	v10 =	vor.u32 v0, v9;
	v0 =	vld [tilespmem:$0x1FF80];
	_ =	sdelay $0x4  }
0x6d: {  	v12 =	vor.u32 v0, v9;
	v0 =	vld [tilespmem:$0x1FF90];
	_ =	sdelay $0x4  }
0x6e: {  	v13 =	vor.u32 v0, v9;
	v0 =	vld [tilespmem:$0x1FF70];
	_ =	sdelay $0x2  }
0x6f: {  	v6 =	vsub.f32 v6, v7;
	_ =	sdelay $0x1  }
0x70: {  	v20 =	vld [tilespmem:$0x1FFA0];
	[tilespmem:s18+$0x0] =	vst v6;
	v7 =	vor.u32 v0, v9  }
0x71: {  	v8 =	vld.idx.msk [tilespmem:v8+s4+$0x0], $0xffff  }
0x72: {  	v10 =	vld.idx.msk [tilespmem:v10+s4+$0x0], $0xffff  }
0x73: {  	v11 =	vor.u32 v5, v9  }
0x74: {  	v15 =	vor.u32 v27, v9;
	v16 =	vor.u32 v28, v9;
	v17 =	vor.u32 v26, v9  }
0x75: {  	v18 =	vor.u32 v61, v9;
	v6 =	vor.u32 v59, v9;
	v3 =	vor.u32 v4, v9;
	v7 =	vld.idx.msk [tilespmem:v7+s4+$0x0], $0xffff  }
0x76: {  	v14 =	vor.u32 v57, v9;
	v19 =	vor.u32 v56, v9;
	v21 =	vmul.f32 v8, v50  }
0x77: {  	v22 =	vmul.f32 v10, v55;
	v0 =	vor.u32 v29, v9;
	v9 =	vor.u32 v20, v9  }
0x78: {  	v12 =	vld.idx.msk [tilespmem:v12+s4+$0x0], $0xffff;
	v24 =	vmul.f32 v10, v49;
	v20 =	vmul.f32 v8, v53  }
0x79: {  	v23 =	vadd.f32 v10, v8;
	v10 =	vmul.f32 v22, v10  }
0x7a: {  	v21 =	vadd.f32 v24, v21;
	v13 =	vld.idx.msk [tilespmem:v13+s4+$0x0], $0xffff;
	v8 =	vmul.f32 v20, v8;
	v25 =	vmul.f32 v7, v54  }
0x7b: {  	v20 =	vadd.f32 v22, v20;
	v22 =	vadd.f32 v7, v23  }
0x7c: {  	v8 =	vadd.f32 v10, v8;
	v9 =	vld.idx.msk [tilespmem:v9+s4+$0x0], $0xffff;
	v23 =	vmul.f32 v25, v7;
	v7 =	vmul.f32 v7, v46  }
0x7d: {  	v11 =	vld.idx.msk [tilespmem:v11+s4+$0x0], $0xffff;
	v10 =	vadd.f32 v25, v20;
	v20 =	vadd.f32 v12, v22  }
0x7e: {  	v24 =	vmul.f32 v12, v51;
	v7 =	vadd.f32 v7, v21;
	v21 =	vmul.f32 v12, v44  }
0x7f: {  	v15 =	vld.idx.msk [tilespmem:v15+s4+$0x0], $0xffff;
	v22 =	vmul.f32 v13, v41;
	v20 =	vadd.f32 v13, v20  }
0x80: {  	v8 =	vadd.f32 v23, v8;
	v12 =	vmul.f32 v24, v12;
	v7 =	vadd.f32 v21, v7  }
0x81: {  	v16 =	vld.idx.msk [tilespmem:v16+s4+$0x0], $0xffff;
	v10 =	vadd.f32 v24, v10;
	v21 =	vmul.f32 v13, v52;
	v20 =	vadd.f32 v9, v20  }
0x82: {  	v0 =	vld.idx.msk [tilespmem:v0+s4+$0x0], $0xffff;
	v23 =	vmul.f32 v11, v62;
	v8 =	vadd.f32 v12, v8;
	v7 =	vadd.f32 v22, v7  }
0x83: {  	v17 =	vld.idx.msk [tilespmem:v17+s4+$0x0], $0xffff;
	v22 =	vmul.f32 v9, v39;
	v10 =	vadd.f32 v21, v10;
	v12 =	vmul.f32 v21, v13  }
0x84: {  	v13 =	vadd.f32 v15, v20;
	v20 =	vmul.f32 v15, v37;
	v21 =	vmul.f32 v9, v47  }
0x85: {  	v7 =	vadd.f32 v22, v7;
	v22 =	vmul.f32 v15, v48;
	v8 =	vadd.f32 v12, v8  }
0x86: {  	v12 =	vld.idx.msk [tilespmem:v18+s4+$0x0], $0xffff;
	v13 =	vadd.f32 v16, v13;
	v18 =	vmul.f32 v16, v35;
	v10 =	vadd.f32 v21, v10  }
0x87: {  	v9 =	vmul.f32 v21, v9;
	v21 =	vmul.f32 v0, v32;
	v7 =	vadd.f32 v20, v7  }
0x88: {  	v15 =	vmul.f32 v22, v15;
	v20 =	vmul.f32 v16, v45;
	v13 =	vadd.f32 v17, v13  }
0x89: {  	v8 =	vadd.f32 v9, v8;
	v9 =	vadd.f32 v22, v10;
	v10 =	vmul.f32 v17, v33  }
0x8a: {  	v6 =	vld.idx.msk [tilespmem:v6+s4+$0x0], $0xffff;
	v7 =	vadd.f32 v18, v7;
	v18 =	vmul.f32 v17, v42;
	v13 =	vadd.f32 v0, v13  }
0x8b: {  	v8 =	vadd.f32 v15, v8;
	v9 =	vadd.f32 v20, v9;
	v15 =	vmul.f32 v20, v16  }
0x8c: {  	v16 =	vmul.f32 v0, v43;
	v20 =	vmul.f32 v12, v40  }
0x8d: {  	v3 =	vld.idx.msk [tilespmem:v3+s4+$0x0], $0xffff;
	v13 =	vadd.f32 v12, v13;
	v9 =	vadd.f32 v18, v9;
	v17 =	vmul.f32 v18, v17  }
0x8e: {  	v18 =	vmul.f32 v12, v31;
	v8 =	vadd.f32 v15, v8;
	v0 =	vmul.f32 v16, v0  }
0x8f: {  	v7 =	vadd.f32 v10, v7;
	v10 =	vmul.f32 v6, v30;
	v9 =	vadd.f32 v16, v9  }
0x90: {  	v14 =	vld.idx.msk [tilespmem:v14+s4+$0x0], $0xffff;
	v15 =	vmul.f32 v6, v38;
	v13 =	vadd.f32 v6, v13;
	v8 =	vadd.f32 v17, v8  }
0x91: {  	v12 =	vmul.f32 v20, v12;
	v7 =	vadd.f32 v21, v7;
	v9 =	vadd.f32 v20, v9  }
0x92: {  	v16 =	vmul.f32 v3, v36;
	v13 =	vadd.f32 v3, v13;
	v0 =	vadd.f32 v0, v8  }
0x93: {  	v6 =	vmul.f32 v15, v6;
	v7 =	vadd.f32 v18, v7;
	v8 =	vadd.f32 v15, v9  }
0x94: {  	v22 =	vld.idx.msk [tilespmem:v19+s4+$0x0], $0xffff;
	v13 =	vadd.f32 v11, v13;
	v0 =	vadd.f32 v12, v0;
	v12 =	vmul.f32 v3, v34  }
0x95: {  	v15 =	vmul.f32 v14, v63;
	v7 =	vadd.f32 v10, v7;
	v8 =	vadd.f32 v16, v8  }
0x96: {  	v3 =	vmul.f32 v16, v3;
	v10 =	vmul.f32 v23, v11;
	v0 =	vadd.f32 v6, v0  }
0x97: {  	p0 =	sne.s32 s19, $0x90;
	v11 =	vmul.f32 v11, v58;
	v7 =	vadd.f32 v12, v7;
	v8 =	vadd.f32 v23, v8  }
.Ltmp0:
0x98: {  	v9 =	vadd.f32 v14, v13;
	v13 =	vmul.f32 v14, v60;
	v0 =	vadd.f32 v3, v0;
	(pc) =	sbr.rel @p0 .LBB2_2-.Ltmp0, $4  }
0x99: {  	v12 =	vmul.f32 v22, v1;
	v3 =	vadd.f32 v11, v7;
	v7 =	vadd.f32 v15, v8  }
0x9a: {  	v14 =	vmul.f32 v15, v14;
	v6 =	vadd.f32 v22, v9;
	v0 =	vadd.f32 v10, v0  }
0x9b: {  	s17 =	sadd.s32 $0x10, s17;
	s20 =	smov.u32 s19;
	v11 =	vmul.f32 v22, v2;
	v8 =	vadd.f32 v13, v3;
	v10 =	vadd.f32 v12, v7  }
0x9c: {  	s19 =	sadd.s32 $0x10, s19;
	s18 =	smov.u32 s17;
	v7 =	vmul.f32 v12, v22;
	v12 =	vmov s20;
	v9 =	vadd.f32 v14, v0  }
0x9d: {  	v21 =	vld [tilespmem:$0x1FF40]  }
0x9e: {  	v3 =	vadd.f32 v11, v8;
	v6 =	vmul.f32 v10, v6  }
0x9f: {  	v20 =	vld [tilespmem:$0x1FF50]  }
0xa0: {  	v22 =	vld [tilespmem:$0x1FF60];
	v7 =	vadd.f32 v7, v9;
	v3 =	vadd.f32 v6, v3  }
0xa1: {  	v0 =	vshll.u32 v12, $0x8  }
0xa2: {  	v23 =	vld [tilespmem:$0x1FF70];
	v3 =	vsub.f32 v3, v7;
	v0 =	vor.u32 v21, v0  }
0xa3: {  	v0 =	vand.u32 $0xF800, v0  }
0xa4: {  	[tilespmem:s18+$0x0] =	vst v3;
	v3 =	vld [tilespmem:$0x1FF80];
	v6 =	vor.u32 v20, v0  }
0xa5: {  	v8 =	vor.u32 v22, v0;
	_ =	sdelay $0x1  }
0xa6: {  	v24 =	vld [tilespmem:$0x1FF90];
	v7 =	vor.u32 v23, v0  }
0xa7: {  	v25 =	vld [tilespmem:$0x1FFA0]  }
0xa8: {  	v3 =	vor.u32 v3, v0;
	v6 =	vld.idx.msk [tilespmem:v6+s4+$0x0], $0xffff  }
0xa9: {  	v8 =	vld.idx.msk [tilespmem:v8+s4+$0x0], $0xffff;
	_ =	sdelay $0x1  }
0xaa: {  	v9 =	vor.u32 v24, v0;
	v7 =	vld.idx.msk [tilespmem:v7+s4+$0x0], $0xffff  }
0xab: {  	v19 =	vor.u32 v27, v0  }
0xac: {  	v11 =	vor.u32 v28, v0;
	v12 =	vor.u32 v25, v0;
	v10 =	vld.idx.msk [tilespmem:v3+s4+$0x0], $0xffff;
	v13 =	vmul.f32 v6, v53  }
0xad: {  	v14 =	vor.u32 v26, v0;
	v15 =	vmul.f32 v6, v50;
	v16 =	vmul.f32 v8, v55  }
0xae: {  	v17 =	vadd.f32 v8, v6;
	v18 =	vmul.f32 v8, v49;
	v6 =	vmul.f32 v13, v6  }
0xaf: {  	v9 =	vld.idx.msk [tilespmem:v9+s4+$0x0], $0xffff;
	v13 =	vadd.f32 v16, v13;
	v8 =	vmul.f32 v16, v8;
	v16 =	vmul.f32 v7, v54  }
0xb0: {  	v15 =	vadd.f32 v18, v15;
	v17 =	vadd.f32 v7, v17;
	v18 =	vmul.f32 v7, v46  }
0xb1: {  	v12 =	vld.idx.msk [tilespmem:v12+s4+$0x0], $0xffff;
	v7 =	vmul.f32 v16, v7;
	v6 =	vadd.f32 v8, v6;
	v8 =	vmul.f32 v10, v51  }
0xb2: {  	v13 =	vadd.f32 v16, v13;
	v15 =	vadd.f32 v18, v15;
	v16 =	vmul.f32 v10, v44  }
0xb3: {  	v18 =	vor.u32 v29, v0;
	v17 =	vadd.f32 v10, v17;
	v6 =	vadd.f32 v7, v6  }
0xb4: {  	v19 =	vld.idx.msk [tilespmem:v19+s4+$0x0], $0xffff;
	v7 =	vadd.f32 v8, v13;
	v13 =	vmul.f32 v9, v41;
	v15 =	vadd.f32 v16, v15  }
0xb5: {  	v3 =	vmul.f32 v8, v10;
	v8 =	vadd.f32 v9, v17;
	v16 =	vmul.f32 v9, v52  }
0xb6: {  	v17 =	vor.u32 v61, v0;
	v13 =	vadd.f32 v13, v15;
	v15 =	vmul.f32 v12, v39  }
0xb7: {  	v11 =	vld.idx.msk [tilespmem:v11+s4+$0x0], $0xffff;
	v8 =	vadd.f32 v12, v8;
	v3 =	vadd.f32 v3, v6;
	v6 =	vmul.f32 v16, v9  }
0xb8: {  	v14 =	vld.idx.msk [tilespmem:v14+s4+$0x0], $0xffff;
	v7 =	vadd.f32 v16, v7;
	v9 =	vadd.f32 v15, v13;
	v15 =	vmul.f32 v12, v47  }
0xb9: {  	v16 =	vld.idx.msk [tilespmem:v18+s4+$0x0], $0xffff;
	v18 =	vor.u32 v5, v0;
	v13 =	vmul.f32 v19, v37;
	v3 =	vadd.f32 v6, v3  }
0xba: {  	v6 =	vor.u32 v59, v0;
	v8 =	vadd.f32 v19, v8;
	v12 =	vmul.f32 v15, v12  }
0xbb: {  	v9 =	vadd.f32 v13, v9;
	v7 =	vadd.f32 v15, v7;
	v15 =	vmul.f32 v19, v48  }
0xbc: {  	v13 =	vor.u32 v4, v0;
	v8 =	vadd.f32 v11, v8;
	v3 =	vadd.f32 v12, v3  }
0xbd: {  	v17 =	vld.idx.msk [tilespmem:v17+s4+$0x0], $0xffff;
	v10 =	vmul.f32 v15, v19;
	v7 =	vadd.f32 v15, v7;
	v19 =	vmul.f32 v11, v45  }
0xbe: {  	v12 =	vmul.f32 v11, v35;
	v8 =	vadd.f32 v14, v8;
	v15 =	vor.u32 v57, v0  }
0xbf: {  	v6 =	vld.idx.msk [tilespmem:v6+s4+$0x0], $0xffff;
	v3 =	vadd.f32 v10, v3;
	v10 =	vmul.f32 v14, v42;
	v7 =	vadd.f32 v19, v7  }
0xc0: {  	v9 =	vadd.f32 v12, v9;
	v11 =	vmul.f32 v19, v11;
	v8 =	vadd.f32 v16, v8  }
0xc1: {  	v13 =	vld.idx.msk [tilespmem:v13+s4+$0x0], $0xffff;
	v7 =	vadd.f32 v10, v7;
	v10 =	vmul.f32 v10, v14;
	v14 =	vmul.f32 v14, v33  }
0xc2: {  	v3 =	vadd.f32 v11, v3;
	v11 =	vmul.f32 v16, v43;
	v8 =	vadd.f32 v17, v8  }
0xc3: {  	v0 =	vor.u32 v56, v0;
	v12 =	vld.idx.msk [tilespmem:v18+s4+$0x0], $0xffff;
	v9 =	vadd.f32 v14, v9;
	v14 =	vmul.f32 v17, v40  }
0xc4: {  	v7 =	vadd.f32 v11, v7;
	v11 =	vmul.f32 v11, v16;
	v8 =	vadd.f32 v6, v8  }
0xc5: {  	v16 =	vmul.f32 v16, v32;
	v3 =	vadd.f32 v10, v3;
	v10 =	vmul.f32 v17, v31  }
0xc6: {  	v15 =	vld.idx.msk [tilespmem:v15+s4+$0x0], $0xffff;
	v8 =	vadd.f32 v13, v8;
	v7 =	vadd.f32 v14, v7;
	v14 =	vmul.f32 v14, v17  }
0xc7: {  	v17 =	vmul.f32 v6, v30;
	v9 =	vadd.f32 v16, v9;
	v16 =	vmul.f32 v6, v38  }
0xc8: {  	v3 =	vadd.f32 v11, v3;
	v11 =	vmul.f32 v13, v36;
	v8 =	vadd.f32 v12, v8  }
0xc9: {  	v6 =	vmul.f32 v16, v6;
	v7 =	vadd.f32 v16, v7;
	v9 =	vadd.f32 v10, v9  }
0xca: {  	v0 =	vld.idx.msk [tilespmem:v0+s4+$0x0], $0xffff;
	v10 =	vmul.f32 v12, v62;
	v3 =	vadd.f32 v14, v3;
	v14 =	vmul.f32 v13, v34  }
0xcb: {  	v16 =	vmul.f32 v15, v63;
	v7 =	vadd.f32 v11, v7;
	v9 =	vadd.f32 v17, v9  }
0xcc: {  	v19 =	vmul.f32 v15, v60;
	v11 =	vmul.f32 v11, v13;
	v3 =	vadd.f32 v6, v3  }
0xcd: {  	v6 =	vmul.f32 v12, v58;
	v9 =	vadd.f32 v14, v9;
	v7 =	vadd.f32 v10, v7  }
0xce: {  	v8 =	vadd.f32 v15, v8;
	v10 =	vmul.f32 v10, v12;
	v3 =	vadd.f32 v11, v3  }
0xcf: {  	v11 =	vmul.f32 v0, v1;
	v6 =	vadd.f32 v6, v9;
	v7 =	vadd.f32 v16, v7  }
0xd0: {  	v8 =	vadd.f32 v0, v8;
	v9 =	vmul.f32 v16, v15;
	v3 =	vadd.f32 v10, v3  }
0xd1: {  	v10 =	vmul.f32 v0, v2;
	v6 =	vadd.f32 v19, v6;
	v7 =	vadd.f32 v11, v7  }
0xd2: {  	v0 =	vmul.f32 v11, v0  }
0xd3: {  	s30 =	simm.s32 $0x0;
	v3 =	vadd.f32 v9, v3;
	v6 =	vadd.f32 v10, v6;
	v7 =	vmul.f32 v7, v8  }
0xd4: {  	v8 =	vmov s30  }
0xd5: {  	v0 =	vadd.f32 v0, v3;
	v3 =	vadd.f32 v7, v6;
	v6 =	vshll.u32 v8, $0x8  }
0xd6: {  	v6 =	vor.u32 v21, v6  }
0xd7: {  	v0 =	vsub.f32 v3, v0;
	v3 =	vand.u32 $0xF800, v6  }
0xd8: {  	s17 =	sadd.s32 $0x10, s17;
	v6 =	vor.u32 v20, v3  }
0xd9: {  	[tilespmem:s17+$0x0] =	vst v0;
	v0 =	vor.u32 v22, v3  }
0xda: {  	_ =	swait.ge [sflag:s14], $0xA000  }
0xdb: {  	[sflag:s14] =	ssyncset.done $0x0;
	v8 =	vld [tilespmem:$0x1FF80]  }
0xdc: {  	v7 =	vor.u32 v23, v3;
	[sflag:s14] =	ssyncadd.s32 $0xFFFF6000  }
0xdd: {  	v6 =	vld.idx.msk [tilespmem:v6+s12+$0x0], $0xffff  }
0xde: {  	v0 =	vld.idx.msk [tilespmem:v0+s12+$0x0], $0xffff;
	_ =	sdelay $0x1  }
0xdf: {  	v8 =	vor.u32 v8, v3  }
0xe0: {  	v7 =	vld.idx.msk [tilespmem:v7+s12+$0x0], $0xffff  }
0xe1: {  	v9 =	vor.u32 v24, v3;
	v11 =	vld [tilespmem:$0x1FFF0]  }
0xe2: {  	v19 =	vld [tilespmem:$0x1FFC0];
	v20 =	vmul.f32 v6, v53;
	v21 =	vmul.f32 v0, v55  }
0xe3: {  	v10 =	vor.u32 v25, v3;
	v22 =	vmul.f32 v6, v50;
	v23 =	vmul.f32 v0, v49  }
0xe4: {  	v15 =	vadd.f32 v0, v6;
	v6 =	vmul.f32 v20, v6;
	v8 =	vld.idx.msk [tilespmem:v8+s12+$0x0], $0xffff;
	v12 =	vadd.f32 v21, v20  }
0xe5: {  	v0 =	vmul.f32 v21, v0;
	v20 =	vadd.f32 v23, v22;
	v21 =	vmul.f32 v7, v46;
	v22 =	vld [tilespmem:$0x1FFD0]  }
0xe6: {  	v9 =	vld.idx.msk [tilespmem:v9+s12+$0x0], $0xffff;
	v11 =	vor.u32 v11, v3;
	v17 =	vmul.f32 v7, v54  }
0xe7: {  	v14 =	vor.u32 v19, v3;
	v0 =	vadd.f32 v0, v6;
	v6 =	vadd.f32 v21, v20;
	v21 =	vld [tilespmem:$0x1FFE0]  }
0xe8: {  	v15 =	vadd.f32 v7, v15;
	v7 =	vmul.f32 v17, v7  }
0xe9: {  	v10 =	vld.idx.msk [tilespmem:v10+s12+$0x0], $0xffff;
	v12 =	vadd.f32 v17, v12  }
0xea: {  	v0 =	vadd.f32 v7, v0;
	v16 =	vor.u32 v22, v3;
	v23 =	vmul.f32 v8, v44  }
0xeb: {  	v11 =	vld.idx.msk [tilespmem:v11+s12+$0x0], $0xffff;
	v7 =	vmul.f32 v9, v41;
	v20 =	vmul.f32 v8, v51;
	v15 =	vadd.f32 v8, v15  }
0xec: {  	v14 =	vld.idx.msk [tilespmem:v14+s12+$0x0], $0xffff;
	v22 =	vmul.f32 v9, v52;
	v6 =	vadd.f32 v23, v6;
	v13 =	vor.u32 v21, v3  }
0xed: {  	v8 =	vmul.f32 v20, v8;
	v12 =	vadd.f32 v20, v12;
	v15 =	vadd.f32 v9, v15  }
0xee: {  	v9 =	vmul.f32 v22, v9;
	v23 =	vmul.f32 v10, v47;
	v6 =	vadd.f32 v7, v6  }
0xef: {  	v7 =	vor.u32 v61, v3;
	v0 =	vadd.f32 v8, v0;
	v8 =	vmul.f32 v10, v39;
	v16 =	vld.idx.msk [tilespmem:v16+s12+$0x0], $0xffff  }
0xf0: {  	v12 =	vadd.f32 v22, v12;
	v15 =	vadd.f32 v10, v15;
	v10 =	vmul.f32 v23, v10  }
0xf1: {  	v22 =	vmul.f32 v14, v42;
	v6 =	vadd.f32 v8, v6;
	v8 =	vmul.f32 v11, v37  }
0xf2: {  	v0 =	vadd.f32 v9, v0;
	v9 =	vor.u32 v59, v3;
	v12 =	vadd.f32 v23, v12  }
0xf3: {  	v15 =	vadd.f32 v11, v15;
	v6 =	vadd.f32 v8, v6;
	v8 =	vmul.f32 v11, v48  }
0xf4: {  	v23 =	vor.u32 v5, v3;
	v13 =	vld.idx.msk [tilespmem:v13+s12+$0x0], $0xffff;
	v0 =	vadd.f32 v10, v0;
	v20 =	vmul.f32 v16, v35  }
0xf5: {  	v11 =	vmul.f32 v8, v11;
	v8 =	vadd.f32 v8, v12;
	v21 =	vmul.f32 v16, v45  }
0xf6: {  	v10 =	vor.u32 v4, v3;
	v15 =	vadd.f32 v16, v15;
	v6 =	vadd.f32 v20, v6  }
0xf7: {  	v7 =	vld.idx.msk [tilespmem:v7+s12+$0x0], $0xffff;
	v8 =	vadd.f32 v21, v8;
	v0 =	vadd.f32 v11, v0;
	v11 =	vmul.f32 v14, v33  }
0xf8: {  	v12 =	vmul.f32 v21, v16;
	v15 =	vadd.f32 v14, v15;
	v14 =	vmul.f32 v22, v14  }
0xf9: {  	v9 =	vld.idx.msk [tilespmem:v9+s12+$0x0], $0xffff;
	v8 =	vadd.f32 v22, v8;
	v6 =	vadd.f32 v11, v6;
	v11 =	vmul.f32 v13, v43  }
0xfa: {  	v19 =	vmul.f32 v13, v32;
	v15 =	vadd.f32 v13, v15;
	v0 =	vadd.f32 v12, v0  }
0xfb: {  	v10 =	vld.idx.msk [tilespmem:v10+s12+$0x0], $0xffff;
	v13 =	vmul.f32 v11, v13;
	v8 =	vadd.f32 v11, v8;
	v11 =	vor.u32 v57, v3  }
0xfc: {  	v20 =	vmul.f32 v7, v40;
	v21 =	vmul.f32 v7, v31;
	v6 =	vadd.f32 v19, v6  }
0xfd: {  	v3 =	vor.u32 v56, v3;
	v15 =	vadd.f32 v7, v15;
	v0 =	vadd.f32 v14, v0  }
0xfe: {  	v16 =	vld.idx.msk [tilespmem:v23+s12+$0x0], $0xffff;
	v7 =	vmul.f32 v20, v7;
	v22 =	vmul.f32 v9, v38;
	v8 =	vadd.f32 v20, v8  }
0xff: {  	v23 =	vmul.f32 v9, v30;
	v6 =	vadd.f32 v21, v6;
	v0 =	vadd.f32 v13, v0  }
0x100: {  	v18 =	vadd.f32 v9, v15;
	v19 =	vmul.f32 v10, v36;
	v8 =	vadd.f32 v22, v8;
	v11 =	vld.idx.msk [tilespmem:v11+s12+$0x0], $0xffff  }
0x101: {  	v6 =	vadd.f32 v23, v6;
	v0 =	vadd.f32 v7, v0;
	v7 =	vmul.f32 v10, v34  }
0x102: {  	v9 =	vmul.f32 v22, v9;
	v20 =	vadd.f32 v10, v18;
	v10 =	vmul.f32 v19, v10;
	v3 =	vld.idx.msk [tilespmem:v3+s12+$0x0], $0xffff  }
0x103: {  	v8 =	vadd.f32 v19, v8;
	v6 =	vadd.f32 v7, v6;
	v7 =	vmul.f32 v16, v62  }
0x104: {  	v12 =	vadd.f32 v16, v20;
	v0 =	vadd.f32 v9, v0;
	v9 =	vmul.f32 v16, v58  }
0x105: {  	v21 =	vmul.f32 v7, v16;
	v7 =	vadd.f32 v7, v8;
	v8 =	vmul.f32 v11, v63  }
0x106: {  	v6 =	vadd.f32 v9, v6;
	v0 =	vadd.f32 v10, v0;
	v9 =	vmul.f32 v11, v60  }
0x107: {  	v10 =	vadd.f32 v11, v12;
	v22 =	vmul.f32 v3, v1;
	v7 =	vadd.f32 v8, v7  }
0x108: {  	v0 =	vadd.f32 v21, v0;
	v23 =	vmul.f32 v3, v2;
	v9 =	vadd.f32 v9, v6  }
0x109: {  	v8 =	vmul.f32 v8, v11;
	v10 =	vadd.f32 v3, v10;
	v11 =	vadd.f32 v22, v7  }
0x10a: {  	s31 =	simm.s32 $0x10;
	v6 =	vmul.f32 v22, v3;
	v7 =	vadd.f32 v23, v9  }
0x10b: {  	s19 =	simm.s32 $0x20;
	s18 =	simm.s32 $0x140A0;
	s17 =	simm.s32 $0x140A0;
	v8 =	vadd.f32 v8, v0;
	v9 =	vmul.f32 v11, v10;
	v10 =	vmov s31  }
.LBB2_4:
0x10c: {  	v3 =	vld [tilespmem:$0x1FF40];
	_ =	sdelay $0x3  }
0x10d: {  	v0 =	vshll.u32 v10, $0x8  }
0x10e: {  	v0 =	vor.u32 v3, v0;
	v3 =	vadd.f32 v6, v8;
	v6 =	vadd.f32 v9, v7;
	v7 =	vld [tilespmem:$0x1FF50]  }
0x10f: {  	v8 =	vld [tilespmem:$0x1FF60]  }
0x110: {  	v11 =	vld [tilespmem:$0x1FF70];
	_ =	sdelay $0x1  }
0x111: {  	v0 =	vand.u32 $0xF800, v0  }
0x112: {  	v3 =	vsub.f32 v6, v3;
	v6 =	vld [tilespmem:$0x1FF80];
	v7 =	vor.u32 v7, v0  }
0x113: {  	v10 =	vld [tilespmem:$0x1FFA0];
	v8 =	vor.u32 v8, v0  }
0x114: {  	v9 =	vld [tilespmem:$0x1FF90];
	v11 =	vor.u32 v11, v0;
	_ =	sdelay $0x1  }
0x115: {  	[tilespmem:s18+$0x0] =	vst v3  }
0x116: {  	v6 =	vor.u32 v6, v0;
	v7 =	vld.idx.msk [tilespmem:v7+s12+$0x0], $0xffff  }
0x117: {  	v8 =	vld.idx.msk [tilespmem:v8+s12+$0x0], $0xffff  }
0x118: {  	v10 =	vor.u32 v10, v0;
	v9 =	vor.u32 v9, v0;
	v11 =	vld.idx.msk [tilespmem:v11+s12+$0x0], $0xffff  }
0x119: {  	v12 =	vor.u32 v27, v0;
	v13 =	vor.u32 v28, v0;
	v14 =	vor.u32 v29, v0  }
0x11a: {  	v15 =	vor.u32 v61, v0;
	v16 =	vor.u32 v59, v0;
	v17 =	vor.u32 v4, v0  }
0x11b: {  	v18 =	vor.u32 v5, v0;
	v6 =	vld.idx.msk [tilespmem:v6+s12+$0x0], $0xffff;
	v20 =	vmul.f32 v7, v53;
	v21 =	vmul.f32 v7, v50  }
0x11c: {  	v3 =	vor.u32 v26, v0;
	v22 =	vmul.f32 v8, v55;
	v24 =	vmul.f32 v8, v49  }
0x11d: {  	v9 =	vld.idx.msk [tilespmem:v9+s12+$0x0], $0xffff;
	v25 =	vmul.f32 v11, v54;
	v23 =	vadd.f32 v8, v7;
	v7 =	vmul.f32 v20, v7  }
0x11e: {  	v20 =	vadd.f32 v22, v20;
	v8 =	vmul.f32 v22, v8;
	v21 =	vadd.f32 v24, v21  }
0x11f: {  	v22 =	vadd.f32 v11, v23;
	v23 =	vmul.f32 v25, v11;
	v11 =	vmul.f32 v11, v46  }
0x120: {  	v10 =	vld.idx.msk [tilespmem:v10+s12+$0x0], $0xffff;
	v24 =	vmul.f32 v6, v51;
	v7 =	vadd.f32 v8, v7;
	v8 =	vadd.f32 v25, v20  }
0x121: {  	v16 =	vld.idx.msk [tilespmem:v16+s12+$0x0], $0xffff;
	v11 =	vadd.f32 v11, v21;
	v20 =	vadd.f32 v6, v22;
	v21 =	vmul.f32 v6, v44  }
0x122: {  	v19 =	vor.u32 v57, v0;
	v0 =	vor.u32 v56, v0;
	v22 =	vmul.f32 v9, v41  }
0x123: {  	v12 =	vld.idx.msk [tilespmem:v12+s12+$0x0], $0xffff;
	v6 =	vmul.f32 v24, v6;
	v11 =	vadd.f32 v21, v11;
	v20 =	vadd.f32 v9, v20  }
0x124: {  	v7 =	vadd.f32 v23, v7;
	v8 =	vadd.f32 v24, v8;
	v21 =	vmul.f32 v9, v52  }
0x125: {  	v13 =	vld.idx.msk [tilespmem:v13+s12+$0x0], $0xffff;
	v11 =	vadd.f32 v22, v11;
	v20 =	vadd.f32 v10, v20;
	v22 =	vmul.f32 v10, v39  }
0x126: {  	v3 =	vld.idx.msk [tilespmem:v3+s12+$0x0], $0xffff;
	v23 =	vmul.f32 v16, v30;
	v6 =	vadd.f32 v6, v7;
	v7 =	vadd.f32 v21, v8  }
0x127: {  	v8 =	vmul.f32 v21, v9;
	v9 =	vld.idx.msk [tilespmem:v14+s12+$0x0], $0xffff;
	v21 =	vmul.f32 v10, v47;
	v11 =	vadd.f32 v22, v11  }
0x128: {  	v14 =	vadd.f32 v12, v20;
	v20 =	vmul.f32 v12, v37;
	v22 =	vmul.f32 v12, v48  }
0x129: {  	v6 =	vadd.f32 v8, v6;
	v7 =	vadd.f32 v21, v7;
	v10 =	vmul.f32 v21, v10  }
0x12a: {  	v8 =	vld.idx.msk [tilespmem:v15+s12+$0x0], $0xffff;
	v15 =	vmul.f32 v13, v35;
	v11 =	vadd.f32 v20, v11;
	v14 =	vadd.f32 v13, v14  }
0x12b: {  	v12 =	vmul.f32 v22, v12;
	v20 =	vmul.f32 v13, v45;
	v6 =	vadd.f32 v10, v6  }
0x12c: {  	v7 =	vadd.f32 v22, v7;
	v10 =	vmul.f32 v3, v33;
	v21 =	vmul.f32 v9, v32  }
0x12d: {  	v19 =	vld.idx.msk [tilespmem:v19+s12+$0x0], $0xffff;
	v22 =	vmul.f32 v9, v43;
	v11 =	vadd.f32 v15, v11;
	v14 =	vadd.f32 v3, v14  }
0x12e: {  	v15 =	vld.idx.msk [tilespmem:v17+s12+$0x0], $0xffff;
	v17 =	vmul.f32 v3, v42;
	v7 =	vadd.f32 v20, v7;
	v13 =	vmul.f32 v20, v13  }
0x12f: {  	v6 =	vadd.f32 v12, v6;
	v12 =	vmul.f32 v8, v40;
	v14 =	vadd.f32 v9, v14  }
0x130: {  	v7 =	vadd.f32 v17, v7;
	v3 =	vmul.f32 v17, v3;
	v10 =	vadd.f32 v10, v11  }
0x131: {  	v18 =	vld.idx.msk [tilespmem:v18+s12+$0x0], $0xffff;
	v6 =	vadd.f32 v13, v6;
	v9 =	vmul.f32 v22, v9;
	v20 =	vadd.f32 v8, v14  }
0x132: {  	v14 =	vmul.f32 v8, v31;
	v7 =	vadd.f32 v22, v7;
	v10 =	vadd.f32 v21, v10  }
0x133: {  	v22 =	vmul.f32 v16, v38;
	v3 =	vadd.f32 v3, v6;
	v21 =	vmul.f32 v19, v63  }
0x134: {  	v11 =	vadd.f32 v16, v20;
	v6 =	vadd.f32 v12, v7;
	v7 =	vmul.f32 v12, v8  }
0x135: {  	v0 =	vld.idx.msk [tilespmem:v0+s12+$0x0], $0xffff;
	v8 =	vmul.f32 v15, v36;
	v10 =	vadd.f32 v14, v10;
	v16 =	vmul.f32 v22, v16  }
0x136: {  	v20 =	vmul.f32 v18, v62;
	v3 =	vadd.f32 v9, v3;
	v6 =	vadd.f32 v22, v6  }
0x137: {  	v11 =	vadd.f32 v15, v11;
	v9 =	vadd.f32 v23, v10;
	v10 =	vmul.f32 v15, v34  }
0x138: {  	v3 =	vadd.f32 v7, v3;
	v7 =	vmul.f32 v8, v15;
	v6 =	vadd.f32 v8, v6  }
0x139: {  	v11 =	vadd.f32 v18, v11;
	v8 =	vadd.f32 v10, v9;
	v10 =	vmul.f32 v18, v58  }
0x13a: {  	v22 =	vmul.f32 v0, v1;
	v3 =	vadd.f32 v16, v3;
	v6 =	vadd.f32 v20, v6  }
0x13b: {  	p0 =	sne.s32 s19, $0x90;
	v8 =	vadd.f32 v10, v8;
	v10 =	vadd.f32 v19, v11;
	v11 =	vmul.f32 v19, v60  }
.Ltmp1:
0x13c: {  	v9 =	vmul.f32 v20, v18;
	v3 =	vadd.f32 v7, v3;
	v6 =	vadd.f32 v21, v6;
	(pc) =	sbr.rel @p0 .LBB2_4-.Ltmp1, $4  }
0x13d: {  	v7 =	vadd.f32 v11, v8;
	v11 =	vadd.f32 v0, v10;
	v8 =	vmul.f32 v0, v2  }
0x13e: {  	s20 =	smov.u32 s19;
	v3 =	vadd.f32 v9, v3;
	v9 =	vmul.f32 v21, v19;
	v23 =	vadd.f32 v22, v6  }
0x13f: {  	s17 =	sadd.s32 $0x10, s17;
	v10 =	vmov s20;
	v6 =	vmul.f32 v22, v0  }
0x140: {  	s19 =	sadd.s32 $0x10, s19;
	s18 =	smov.u32 s17;
	v7 =	vadd.f32 v8, v7;
	v8 =	vadd.f32 v9, v3;
	v9 =	vmul.f32 v23, v11  }
0x141: {  	v3 =	vld [tilespmem:$0x1FF40];
	_ =	sdelay $0x1  }
0x142: {  	v18 =	vld [tilespmem:$0x1FF50]  }
0x143: {  	v19 =	vld [tilespmem:$0x1FF60]  }
0x144: {  	v0 =	vshll.u32 v10, $0x8;
	v20 =	vld [tilespmem:$0x1FF70]  }
0x145: {  	v22 =	vld [tilespmem:$0x1FF90];
	v0 =	vor.u32 v3, v0  }
0x146: {  	v23 =	vld [tilespmem:$0x1FFA0];
	v0 =	vand.u32 $0xF800, v0  }
0x147: {  	v16 =	vadd.f32 v6, v8;
	v17 =	vadd.f32 v9, v7;
	v7 =	vor.u32 v18, v0  }
0x148: {  	v8 =	vor.u32 v19, v0  }
0x149: {  	v3 =	vsub.f32 v17, v16;
	v6 =	vor.u32 v20, v0  }
0x14a: {  	v9 =	vor.u32 v22, v0  }
0x14b: {  	v21 =	vld [tilespmem:$0x1FF80];
	[tilespmem:s18+$0x0] =	vst v3;
	v10 =	vor.u32 v23, v0  }
0x14c: {  	v11 =	vor.u32 v27, v0;
	v3 =	vld.idx.msk [tilespmem:v7+s12+$0x0], $0xffff  }
0x14d: {  	v12 =	vor.u32 v28, v0;
	v8 =	vld.idx.msk [tilespmem:v8+s12+$0x0], $0xffff  }
0x14e: {  	v13 =	vor.u32 v26, v0;
	v6 =	vld.idx.msk [tilespmem:v6+s12+$0x0], $0xffff  }
0x14f: {  	v5 =	vor.u32 v5, v0;
	v9 =	vld.idx.msk [tilespmem:v9+s12+$0x0], $0xffff  }
0x150: {  	v10 =	vld.idx.msk [tilespmem:v10+s12+$0x0], $0xffff  }
0x151: {  	v11 =	vld.idx.msk [tilespmem:v11+s12+$0x0], $0xffff  }
0x152: {  	v14 =	vor.u32 v61, v0;
	v15 =	vor.u32 v59, v0;
	v4 =	vor.u32 v4, v0;
	v12 =	vld.idx.msk [tilespmem:v12+s12+$0x0], $0xffff  }
0x153: {  	v16 =	vor.u32 v57, v0;
	v7 =	vor.u32 v21, v0;
	v13 =	vld.idx.msk [tilespmem:v13+s12+$0x0], $0xffff;
	v17 =	vmul.f32 v3, v53  }
0x154: {  	v18 =	vor.u32 v56, v0;
	v5 =	vld.idx.msk [tilespmem:v5+s12+$0x0], $0xffff;
	v19 =	vmul.f32 v3, v50;
	v20 =	vmul.f32 v8, v55  }
0x155: {  	v0 =	vor.u32 v29, v0;
	v22 =	vmul.f32 v8, v49;
	v23 =	vmul.f32 v6, v54  }
0x156: {  	v59 =	vmul.f32 v6, v46;
	v53 =	vmul.f32 v9, v52  }
0x157: {  	v14 =	vld.idx.msk [tilespmem:v14+s12+$0x0], $0xffff;
	v55 =	vmul.f32 v10, v39;
	v57 =	vmul.f32 v11, v37  }
0x158: {  	v7 =	vld.idx.msk [tilespmem:v7+s12+$0x0], $0xffff;
	v35 =	vmul.f32 v12, v35;
	v37 =	vmul.f32 v12, v45  }
0x159: {  	v21 =	vadd.f32 v8, v3;
	v42 =	vmul.f32 v13, v42;
	v52 =	vmul.f32 v5, v62  }
0x15a: {  	v0 =	vld.idx.msk [tilespmem:v0+s12+$0x0], $0xffff;
	v3 =	vmul.f32 v17, v3;
	v8 =	vmul.f32 v20, v8;
	v19 =	vadd.f32 v22, v19  }
0x15b: {  	v21 =	vadd.f32 v6, v21;
	v17 =	vadd.f32 v20, v17;
	v6 =	vmul.f32 v23, v6  }
0x15c: {  	v3 =	vadd.f32 v8, v3;
	v61 =	vadd.f32 v59, v19;
	v59 =	vmul.f32 v10, v47  }
0x15d: {  	v17 =	vadd.f32 v23, v17;
	v47 =	vmul.f32 v14, v40;
	v50 =	vmul.f32 v7, v51  }
0x15e: {  	v46 =	vadd.f32 v7, v21;
	v49 =	vmul.f32 v7, v44;
	v51 =	vmul.f32 v9, v41  }
0x15f: {  	v41 =	vmul.f32 v13, v33;
	v44 =	vmul.f32 v0, v32;
	v17 =	vadd.f32 v50, v17  }
0x160: {  	v45 =	vmul.f32 v0, v43;
	v8 =	vadd.f32 v49, v61;
	v19 =	vadd.f32 v9, v46  }
0x161: {  	v39 =	vld.idx.msk [tilespmem:v15+s12+$0x0], $0xffff;
	v3 =	vadd.f32 v6, v3;
	v7 =	vmul.f32 v50, v7;
	v56 =	vadd.f32 v53, v17  }
0x162: {  	v9 =	vmul.f32 v53, v9;
	v6 =	vadd.f32 v51, v8;
	v54 =	vadd.f32 v10, v19  }
0x163: {  	v61 =	vmul.f32 v11, v48;
	v3 =	vadd.f32 v7, v3;
	v7 =	vadd.f32 v59, v56  }
0x164: {  	v46 =	vmul.f32 v14, v31;
	v6 =	vadd.f32 v55, v6;
	v8 =	vadd.f32 v11, v54  }
0x165: {  	v4 =	vld.idx.msk [tilespmem:v4+s12+$0x0], $0xffff;
	v10 =	vmul.f32 v59, v10;
	v3 =	vadd.f32 v9, v3;
	v7 =	vadd.f32 v61, v7  }
0x166: {  	v48 =	vmul.f32 v39, v38;
	v6 =	vadd.f32 v57, v6;
	v8 =	vadd.f32 v12, v8  }
0x167: {  	v11 =	vmul.f32 v61, v11;
	v3 =	vadd.f32 v10, v3;
	v7 =	vadd.f32 v37, v7  }
0x168: {  	v49 =	vmul.f32 v39, v30;
	v6 =	vadd.f32 v35, v6;
	v8 =	vadd.f32 v13, v8  }
0x169: {  	v12 =	vmul.f32 v37, v12;
	v3 =	vadd.f32 v11, v3;
	v7 =	vadd.f32 v42, v7  }
0x16a: {  	v51 =	vmul.f32 v4, v36;
	v8 =	vadd.f32 v0, v8;
	v6 =	vadd.f32 v41, v6  }
0x16b: {  	v13 =	vmul.f32 v42, v13;
	v3 =	vadd.f32 v12, v3;
	v7 =	vadd.f32 v45, v7  }
0x16c: {  	v50 =	vld.idx.msk [tilespmem:v16+s12+$0x0], $0xffff;
	v9 =	vmul.f32 v48, v39;
	v8 =	vadd.f32 v14, v8;
	v6 =	vadd.f32 v44, v6  }
0x16d: {  	v0 =	vmul.f32 v45, v0;
	v3 =	vadd.f32 v13, v3;
	v7 =	vadd.f32 v47, v7  }
0x16e: {  	v55 =	vmul.f32 v4, v34;
	v8 =	vadd.f32 v39, v8;
	v6 =	vadd.f32 v46, v6  }
0x16f: {  	v10 =	vmul.f32 v47, v14;
	v0 =	vadd.f32 v0, v3;
	v53 =	vadd.f32 v48, v7  }
0x170: {  	v54 =	vld.idx.msk [tilespmem:v18+s12+$0x0], $0xffff;
	v56 =	vmul.f32 v52, v5;
	v8 =	vadd.f32 v4, v8;
	v6 =	vadd.f32 v49, v6  }
0x171: {  	v57 =	vmul.f32 v50, v63;
	v0 =	vadd.f32 v10, v0;
	v3 =	vadd.f32 v51, v53  }
0x172: {  	v8 =	vadd.f32 v5, v8;
	v6 =	vadd.f32 v55, v6;
	v5 =	vmul.f32 v5, v58  }
0x173: {  	v4 =	vmul.f32 v51, v4;
	v0 =	vadd.f32 v9, v0;
	v3 =	vadd.f32 v52, v3  }
0x174: {  	v59 =	vmul.f32 v50, v60;
	v5 =	vadd.f32 v5, v6;
	v58 =	vadd.f32 v50, v8  }
0x175: {  	v1 =	vmul.f32 v54, v1;
	v0 =	vadd.f32 v4, v0;
	v3 =	vadd.f32 v57, v3  }
0x176: {  	v62 =	vmul.f32 v57, v50;
	v60 =	vadd.f32 v59, v5;
	v61 =	vadd.f32 v54, v58  }
0x177: {  	v2 =	vmul.f32 v54, v2;
	v0 =	vadd.f32 v56, v0;
	v3 =	vadd.f32 v1, v3  }
0x178: {  	v1 =	vmul.f32 v1, v54  }
0x179: {  	v2 =	vadd.f32 v2, v60;
	v0 =	vadd.f32 v62, v0;
	v3 =	vmul.f32 v3, v61;
	_ =	sdelay $0x1  }
0x17a: {  	v0 =	vadd.f32 v1, v0;
	v63 =	vadd.f32 v3, v2;
	_ =	sdelay $0x1  }
0x17b: {  	s16 =	sadd.s32 $0x1, s16;
	v0 =	vsub.f32 v63, v0  }
0x17c: {  	s17 =	sadd.s32 $0x10, s17;
	p0 =	sne.s32 s16, s8  }
.Ltmp2:
0x17d: {  	[tilespmem:s17+$0x0] =	vst v0;
	(pc) =	sbr.rel @p0 .LBB2_1-.Ltmp2, $4  }
0x17e: {  	[hbm4b:s7+s4] =	stream.linear.scatter [tilespmem:s15], [sflag:$0x3], $0x140, $0x38;
	[tilespmem:$0x14A00] =	vst v63  }
0x17f: {  	_ =	swait.ge [sflag:s10], $0x140  }
0x180: {  	[sflag:s10] =	ssyncset.done $0x0  }
0x181: {  	[sflag:s10] =	ssyncadd.s32 $0xFFFFFEC0  }
0x182: {  	_ =	sfence.sel $0x180000  }
0x183: {  	[bflag:$0x0] =	sbarrier.arrive $0xFFFF  }
0x184: {  	p0 =	sne.s32 s0, $0x0;
	_ =	strace $0x90000047  }
0x185: {  	s0 =	sadd.s32 @!p0 $0x100000, s3;
	[bflag:$0x2] =	sbarrier.arrive $0xFFFF  }
0x186: {  	[sflag:s0] =	ssyncadd.tile.s32 @!p0 $0x1;
	_ =	shalt  }
.Lfunc_end2:
_tile_overlayer_lowered:
.L_overlay_start_2:
0x187: {  	(tag) =	ssettag $0x2  }
0x188: {  	s0 =	rddreg [dreg:$0x0];
	s2 =	stileid.u32  }
0x189: {  	s1 =	rddreg [dreg:$0x1];
	p0 =	sne.s32 s2, $0x0  }
0x18a: {  	s3 =	rddreg [dreg:$0x2];
	[bflag:$0x3] =	sbarrier.arrive $0xFFFF;
	s2 =	simm.s32 @!p0 $0x1C03  }
0x18b: {  	[timem:s3], [sflag:s2] =	dma.local @!p0 [hbm:s0], s1  }
0x18c: {  	s0 =	simm.s32 @!p0 $0x3  }
0x18d: {  	_ =	swait.ge @!p0 [sflag:s0], s1  }
0x18e: {  	s1 =	ssub.s32 @!p0 $0x0, s1;
	[sflag:s0] =	ssyncset.done @!p0 $0x0  }
0x18f: {  	[sflag:s0] =	ssyncadd.s32 @!p0 s1  }
0x190: {  	[bflag:$0x3] =	sbarrier.arrive $0xFFFF  }
0x191: {  	_ =	shalt  }

</sc_bundles>
